<compile_context>
chip_gen: v7x
topology: tpu7x:2x2x1
jax: 0.10.2.dev20260603
libtpu: 0.0.44.dev20260713+nightly
codegen_flags: <defaults>
</compile_context>

<pallas_src>
import functools

import jax
import jax.numpy as jnp
from jax import lax
from jax.experimental import pallas as pl
from jax.experimental.pallas import tpu as pltpu
from jax.experimental.pallas import tpu_sc as plsc

_MARGIN = 1.0
_L = 16

_DNUMS = lax.GatherDimensionNumbers(
    offset_dims=(), collapsed_slice_dims=(0,), start_index_map=(0,))


def _loss_kernel(T, B, D):
    DPT = 4
    TH = T // 2
    NW = 32
    NTR = B // 128
    NJ = TH // 128
    mesh = plsc.VectorSubcoreMesh(core_axis_name="c", subcore_axis_name="s")

    @functools.partial(
        pl.kernel,
        mesh=mesh,
        out_type=jax.ShapeDtypeStruct((NW, _L), jnp.float32),
        compiler_params=pltpu.CompilerParams(
            use_tc_tiling_on_sc=False, needs_layout_passes=False),
        scratch_types=[
            pltpu.VMEM((DPT * NTR, 128), jnp.float32),
            pltpu.VMEM((DPT, NTR), jnp.int32),
            pltpu.VMEM((3, NJ), jnp.int32),
            pltpu.VMEM((NJ, 128), jnp.int32),
            pltpu.VMEM((NJ, 128), jnp.int32),
            pltpu.VMEM((NJ, 128), jnp.int32),
            pltpu.VMEM((NJ, 128), jnp.float32),
            pltpu.VMEM((NJ,), jnp.int32),
            pltpu.VMEM((DPT, 128), jnp.float32),
            pltpu.VMEM((_L,), jnp.float32),
            pltpu.VMEM_SHARED((NJ, 128), jnp.float32),
            pltpu.SemaphoreType.DMA,
        ],
    )
    def k(emb_hbm, trip_hbm, out_hbm, rows_v, gidx_v, tidx_v, ia_v, ip_v,
          in_v, part_v, sidx_v, sl_v, out_v, acc_sh, sem):
        c = lax.axis_index("c")
        s = lax.axis_index("s")
        d0 = s * DPT

        lanes = lax.iota(jnp.int32, _L)
        lanes4 = lanes * 4
        lanes8 = lanes * 8

        for r in range(3):
            base_r = c * (4 * NJ) + r
            for kk in range(NJ // _L):
                tidx_v[r, pl.ds(kk * _L, _L)] = lanes4 + (base_r + 64 * kk)
        trip_copies = [
            pltpu.make_async_copy(trip_hbm.at[tidx_v.at[r]], v, sem)
            for r, v in ((0, ia_v), (1, ip_v), (2, in_v))
        ]
        for cpy in trip_copies:
            cpy.start()

        for i in range(DPT):
            d = d0 + i
            base = (d >> 3) * (8 * NTR) + (d & 7)
            for kk in range(NTR // _L):
                gidx_v[i, pl.ds(kk * _L, _L)] = lanes8 + (base + 128 * kk)
        row_copies = [
            pltpu.make_async_copy(emb_hbm.at[gidx_v.at[i]],
                                  rows_v.at[pl.ds(i * NTR, NTR)], sem)
            for i in range(DPT)
        ]
        for cpy in row_copies:
            cpy.start()

        for kk in range(NJ // _L):
            sidx_v[pl.ds(kk * _L, _L)] = lanes + (kk * _L)

        for cpy in trip_copies:
            cpy.wait()
        for cpy in row_copies:
            cpy.wait()

        def one_group(g):
            j = g >> 3
            co = (g & 7) * _L
            sl = pl.ds(co, _L)
            iav = ia_v[j, sl]
            ipv = ip_v[j, sl]
            inv = in_v[j, sl]
            his = [v >> 7 for v in (iav, ipv, inv)]
            los = [v & 127 for v in (iav, ipv, inv)]
            contrib = None
            for i in range(DPT):
                if i == 0:
                    rows = his
                else:
                    rows = [h + (i * NTR) for h in his]
                a = plsc.load_gather(rows_v, [rows[0], los[0]])
                p = plsc.load_gather(rows_v, [rows[1], los[1]])
                n = plsc.load_gather(rows_v, [rows[2], los[2]])
                m = (p - n) * ((p + n) - a - a)
                contrib = m if contrib is None else contrib + m
            part_v[j, sl] = contrib

        UN = 2
        def body(gi, carry):
            for u in range(UN):
                one_group(UN * gi + u)
            return carry

        lax.fori_loop(0, TH // (UN * _L), body, jnp.int32(0))

        @pl.when(s == 0)
        def _():
            pltpu.sync_copy(part_v, acc_sh)
        plsc.subcore_barrier()

        @pl.when(s != 0)
        def _():
            pltpu.sync_copy(part_v, acc_sh.at[sidx_v], add=True)
        plsc.subcore_barrier()

        pltpu.sync_copy(acc_sh.at[pl.ds(s * DPT, DPT)], sl_v)

        perm_idx = {sh: (lanes ^ sh)[:, None] for sh in (1, 2, 4, 8)}

        def permute(v, sh):
            return lax.gather(v, perm_idx[sh], _DNUMS, (1,),
                              mode=lax.GatherScatterMode.PROMISE_IN_BOUNDS)

        acc = jnp.zeros((_L,), jnp.float32)
        for row in range(DPT):
            for kk in range(128 // _L):
                v = sl_v[row, pl.ds(kk * _L, _L)]
                acc = acc + jnp.maximum(v + _MARGIN, 0.0)
        for sh in (8, 4, 2, 1):
            acc = acc + permute(acc, sh)
        out_v[...] = acc
        wid = s * 2 + c
        pltpu.sync_copy(out_v, out_hbm.at[wid])

    return k


def kernel(embeddings, target, triplets):
    del target
    T = triplets.shape[0]
    B, D = embeddings.shape
    emb_tiles = (embeddings.T.reshape(D // 8, 8, B // 128, 128)
                 .transpose(0, 2, 1, 3).reshape((B * D) // 128, 128))
    trip_tiles = (jnp.pad(triplets.T, ((0, 1), (0, 0)))
                  .reshape(4, T // 128, 128).transpose(1, 0, 2)
                  .reshape((T * 4) // 128, 128))
    out = _loss_kernel(T, B, D)(emb_tiles, trip_tiles)
    return (jnp.sum(out[:, 0]) / T, T)

# --- scband reference (transcript-rebuilt; emitter-appended) ---
"""Pipeline reference for scband-online-triplet-loss-618475291165 (READ-ONLY COPY).

The authoritative reference and input builder live on the scoring server;
editing this copy changes nothing except your own understanding.
"""

import jax, jax.numpy as jnp
import numpy as np

MARGIN = 1.0
B = 16384
D = 64
T = 16384
NUM_CLASSES = 1000


def setup_inputs(seed: int = 0) -> dict:
    key = jax.random.key(seed)
    k1, k2, k3 = jax.random.split(key, 3)
    embeddings = jax.random.normal(k1, (B, D), dtype=jnp.float32)
    target = jax.random.randint(k2, (B,), 0, NUM_CLASSES, dtype=jnp.int64 if jax.config.read('jax_enable_x64') else jnp.int32).astype(jnp.int32)
    triplets = jax.random.randint(k3, (T, 3), 0, B, dtype=jnp.int32)
    return {"embeddings": embeddings, "target": target, "triplets": triplets}


def reference(embeddings, target, triplets):
    # triplets: [T, 3] (anchor, positive, negative) indices; stands in for
    # triplet_selector.get_triplets(embeddings, target) which is a
    # non-differentiable index-selection step.
    anchor = jnp.take(embeddings, triplets[:, 0], axis=0)
    positive = jnp.take(embeddings, triplets[:, 1], axis=0)
    negative = jnp.take(embeddings, triplets[:, 2], axis=0)
    ap_distances = jnp.sum((anchor - positive) ** 2, axis=1)
    an_distances = jnp.sum((anchor - negative) ** 2, axis=1)
    losses = jax.nn.relu(ap_distances - an_distances + MARGIN)
    return (jnp.mean(losses), triplets.shape[0])

if __name__ == "__main__":
    import jax
    _d = setup_inputs()
    print(jax.jit(kernel)(*tuple(_d.values())))

</pallas_src>

<mosaic_0001>
#map = affine_map<(d0, d1) -> (0, 0)>
module attributes {stable_mosaic.version = 14 : i64} {
  func.func @k(%arg0: i32, %arg1: i32, %arg2: memref<8192x128xf32, #tpu.memory_space<hbm>>, %arg3: memref<512x128xi32, #tpu.memory_space<hbm>>, %arg4: memref<32x16xf32, #tpu.memory_space<hbm>>, %arg5: memref<512x128xf32, #tpu.memory_space<vmem>>, %arg6: memref<4x128xi32, #tpu.memory_space<vmem>>, %arg7: memref<3x64xi32, #tpu.memory_space<vmem>>, %arg8: memref<64x128xi32, #tpu.memory_space<vmem>>, %arg9: memref<64x128xi32, #tpu.memory_space<vmem>>, %arg10: memref<64x128xi32, #tpu.memory_space<vmem>>, %arg11: memref<64x128xf32, #tpu.memory_space<vmem>>, %arg12: memref<64xi32, #tpu.memory_space<vmem>>, %arg13: memref<4x128xf32, #tpu.memory_space<vmem>>, %arg14: memref<16xf32, #tpu.memory_space<vmem>>, %arg15: memref<64x128xf32, #tpu.memory_space<vmem_shared>>, %arg16: memref<!tpu.dma_semaphore, #tpu.memory_space<semaphore_mem>>) attributes {dimension_semantics = [#tpu.dimension_semantics<core_parallel>, #tpu.dimension_semantics<subcore_parallel>], iteration_bounds = array<i64: 2, 16>, scalar_prefetch = 0 : i64, scratch_operands = 12 : i64, tpu.core_type = #tpu.core_type<sc_vector_subcore>, window_params = [{transform_indices = #map}, {transform_indices = #map}, {transform_indices = #map}]} {
    %mul3A = arith.constant 4 : i32
    %mul3A_0 = arith.muli %arg1, %mul3A : i32
    %iota3A = tpu.iota {dimensions = array<i32: 0>} : vector<16xi32>
    %mul3A_1 = arith.constant 4 : i32
    %mul3A_2 = vector.broadcast %mul3A_1 : i32 to vector<16xi32>
    %mul3A_3 = arith.muli %iota3A, %mul3A_2 : vector<16xi32>
    %mul3A_4 = arith.constant 8 : i32
    %mul3A_5 = vector.broadcast %mul3A_4 : i32 to vector<16xi32>
    %mul3A_6 = arith.muli %iota3A, %mul3A_5 : vector<16xi32>
    %mul3A_7 = arith.constant 256 : i32
    %mul3A_8 = arith.muli %arg0, %mul3A_7 : i32
    %add3A = arith.constant 0 : i32
    %add3A_9 = arith.addi %mul3A_8, %add3A : i32
    %add3A_10 = arith.constant 0 : i32
    %add3A_11 = arith.addi %add3A_9, %add3A_10 : i32
    %add3A_12 = vector.broadcast %add3A_11 : i32 to vector<16xi32>
    %add3A_13 = arith.addi %mul3A_3, %add3A_12 : vector<16xi32>
    %swap3A = arith.constant 0 : i32
    %swap3A_14 = arith.index_cast %swap3A : i32 to index
    %swap3A_15 = arith.constant 0 : index
    %swap3A_16 = tpu.vector_load %arg7[%swap3A_14, %swap3A_15] {strides = array<i32>} : memref<3x64xi32, #tpu.memory_space<vmem>>, vector<16xi32>,
    tpu.vector_store %arg7[%swap3A_14, %swap3A_15], %add3A_13 {strides = array<i32>} : memref<3x64xi32, #tpu.memory_space<vmem>>, vector<16xi32>,
    %add3A_17 = arith.constant 64 : i32
    %add3A_18 = arith.addi %add3A_9, %add3A_17 : i32
    %add3A_19 = vector.broadcast %add3A_18 : i32 to vector<16xi32>
    %add3A_20 = arith.addi %mul3A_3, %add3A_19 : vector<16xi32>
    %swap3A_21 = arith.constant 0 : i32
    %swap3A_22 = arith.index_cast %swap3A_21 : i32 to index
    %swap3A_23 = arith.constant 16 : index
    %swap3A_24 = tpu.vector_load %arg7[%swap3A_22, %swap3A_23] {strides = array<i32>} : memref<3x64xi32, #tpu.memory_space<vmem>>, vector<16xi32>,
    tpu.vector_store %arg7[%swap3A_22, %swap3A_23], %add3A_20 {strides = array<i32>} : memref<3x64xi32, #tpu.memory_space<vmem>>, vector<16xi32>,
    %add3A_25 = arith.constant 128 : i32
    %add3A_26 = arith.addi %add3A_9, %add3A_25 : i32
    %add3A_27 = vector.broadcast %add3A_26 : i32 to vector<16xi32>
    %add3A_28 = arith.addi %mul3A_3, %add3A_27 : vector<16xi32>
    %swap3A_29 = arith.constant 0 : i32
    %swap3A_30 = arith.index_cast %swap3A_29 : i32 to index
    %swap3A_31 = arith.constant 32 : index
    %swap3A_32 = tpu.vector_load %arg7[%swap3A_30, %swap3A_31] {strides = array<i32>} : memref<3x64xi32, #tpu.memory_space<vmem>>, vector<16xi32>,
    tpu.vector_store %arg7[%swap3A_30, %swap3A_31], %add3A_28 {strides = array<i32>} : memref<3x64xi32, #tpu.memory_space<vmem>>, vector<16xi32>,
    %add3A_33 = arith.constant 192 : i32
    %add3A_34 = arith.addi %add3A_9, %add3A_33 : i32
    %add3A_35 = vector.broadcast %add3A_34 : i32 to vector<16xi32>
    %add3A_36 = arith.addi %mul3A_3, %add3A_35 : vector<16xi32>
    %swap3A_37 = arith.constant 0 : i32
    %swap3A_38 = arith.index_cast %swap3A_37 : i32 to index
    %swap3A_39 = arith.constant 48 : index
    %swap3A_40 = tpu.vector_load %arg7[%swap3A_38, %swap3A_39] {strides = array<i32>} : memref<3x64xi32, #tpu.memory_space<vmem>>, vector<16xi32>,
    tpu.vector_store %arg7[%swap3A_38, %swap3A_39], %add3A_36 {strides = array<i32>} : memref<3x64xi32, #tpu.memory_space<vmem>>, vector<16xi32>,
    %mul3A_41 = arith.constant 256 : i32
    %mul3A_42 = arith.muli %arg0, %mul3A_41 : i32
    %add3A_43 = arith.constant 1 : i32
    %add3A_44 = arith.addi %mul3A_42, %add3A_43 : i32
    %add3A_45 = arith.constant 0 : i32
    %add3A_46 = arith.addi %add3A_44, %add3A_45 : i32
    %add3A_47 = vector.broadcast %add3A_46 : i32 to vector<16xi32>
    %add3A_48 = arith.addi %mul3A_3, %add3A_47 : vector<16xi32>
    %swap3A_49 = arith.constant 1 : i32
    %swap3A_50 = arith.index_cast %swap3A_49 : i32 to index
    %swap3A_51 = arith.constant 0 : index
    %swap3A_52 = tpu.vector_load %arg7[%swap3A_50, %swap3A_51] {strides = array<i32>} : memref<3x64xi32, #tpu.memory_space<vmem>>, vector<16xi32>,
    tpu.vector_store %arg7[%swap3A_50, %swap3A_51], %add3A_48 {strides = array<i32>} : memref<3x64xi32, #tpu.memory_space<vmem>>, vector<16xi32>,
    %add3A_53 = arith.constant 64 : i32
    %add3A_54 = arith.addi %add3A_44, %add3A_53 : i32
    %add3A_55 = vector.broadcast %add3A_54 : i32 to vector<16xi32>
    %add3A_56 = arith.addi %mul3A_3, %add3A_55 : vector<16xi32>
    %swap3A_57 = arith.constant 1 : i32
    %swap3A_58 = arith.index_cast %swap3A_57 : i32 to index
    %swap3A_59 = arith.constant 16 : index
    %swap3A_60 = tpu.vector_load %arg7[%swap3A_58, %swap3A_59] {strides = array<i32>} : memref<3x64xi32, #tpu.memory_space<vmem>>, vector<16xi32>,
    tpu.vector_store %arg7[%swap3A_58, %swap3A_59], %add3A_56 {strides = array<i32>} : memref<3x64xi32, #tpu.memory_space<vmem>>, vector<16xi32>,
    %add3A_61 = arith.constant 128 : i32
    %add3A_62 = arith.addi %add3A_44, %add3A_61 : i32
    %add3A_63 = vector.broadcast %add3A_62 : i32 to vector<16xi32>
    %add3A_64 = arith.addi %mul3A_3, %add3A_63 : vector<16xi32>
    %swap3A_65 = arith.constant 1 : i32
    %swap3A_66 = arith.index_cast %swap3A_65 : i32 to index
    %swap3A_67 = arith.constant 32 : index
    %swap3A_68 = tpu.vector_load %arg7[%swap3A_66, %swap3A_67] {strides = array<i32>} : memref<3x64xi32, #tpu.memory_space<vmem>>, vector<16xi32>,
    tpu.vector_store %arg7[%swap3A_66, %swap3A_67], %add3A_64 {strides = array<i32>} : memref<3x64xi32, #tpu.memory_space<vmem>>, vector<16xi32>,
    %add3A_69 = arith.constant 192 : i32
    %add3A_70 = arith.addi %add3A_44, %add3A_69 : i32
    %add3A_71 = vector.broadcast %add3A_70 : i32 to vector<16xi32>
    %add3A_72 = arith.addi %mul3A_3, %add3A_71 : vector<16xi32>
    %swap3A_73 = arith.constant 1 : i32
    %swap3A_74 = arith.index_cast %swap3A_73 : i32 to index
    %swap3A_75 = arith.constant 48 : index
    %swap3A_76 = tpu.vector_load %arg7[%swap3A_74, %swap3A_75] {strides = array<i32>} : memref<3x64xi32, #tpu.memory_space<vmem>>, vector<16xi32>,
    tpu.vector_store %arg7[%swap3A_74, %swap3A_75], %add3A_72 {strides = array<i32>} : memref<3x64xi32, #tpu.memory_space<vmem>>, vector<16xi32>,
    %mul3A_77 = arith.constant 256 : i32
    %mul3A_78 = arith.muli %arg0, %mul3A_77 : i32
    %add3A_79 = arith.constant 2 : i32
    %add3A_80 = arith.addi %mul3A_78, %add3A_79 : i32
    %add3A_81 = arith.constant 0 : i32
    %add3A_82 = arith.addi %add3A_80, %add3A_81 : i32
    %add3A_83 = vector.broadcast %add3A_82 : i32 to vector<16xi32>
    %add3A_84 = arith.addi %mul3A_3, %add3A_83 : vector<16xi32>
    %swap3A_85 = arith.constant 2 : i32
    %swap3A_86 = arith.index_cast %swap3A_85 : i32 to index
    %swap3A_87 = arith.constant 0 : index
    %swap3A_88 = tpu.vector_load %arg7[%swap3A_86, %swap3A_87] {strides = array<i32>} : memref<3x64xi32, #tpu.memory_space<vmem>>, vector<16xi32>,
    tpu.vector_store %arg7[%swap3A_86, %swap3A_87], %add3A_84 {strides = array<i32>} : memref<3x64xi32, #tpu.memory_space<vmem>>, vector<16xi32>,
    %add3A_89 = arith.constant 64 : i32
    %add3A_90 = arith.addi %add3A_80, %add3A_89 : i32
    %add3A_91 = vector.broadcast %add3A_90 : i32 to vector<16xi32>
    %add3A_92 = arith.addi %mul3A_3, %add3A_91 : vector<16xi32>
    %swap3A_93 = arith.constant 2 : i32
    %swap3A_94 = arith.index_cast %swap3A_93 : i32 to index
    %swap3A_95 = arith.constant 16 : index
    %swap3A_96 = tpu.vector_load %arg7[%swap3A_94, %swap3A_95] {strides = array<i32>} : memref<3x64xi32, #tpu.memory_space<vmem>>, vector<16xi32>,
    tpu.vector_store %arg7[%swap3A_94, %swap3A_95], %add3A_92 {strides = array<i32>} : memref<3x64xi32, #tpu.memory_space<vmem>>, vector<16xi32>,
    %add3A_97 = arith.constant 128 : i32
    %add3A_98 = arith.addi %add3A_80, %add3A_97 : i32
    %add3A_99 = vector.broadcast %add3A_98 : i32 to vector<16xi32>
    %add3A_100 = arith.addi %mul3A_3, %add3A_99 : vector<16xi32>
    %swap3A_101 = arith.constant 2 : i32
    %swap3A_102 = arith.index_cast %swap3A_101 : i32 to index
    %swap3A_103 = arith.constant 32 : index
    %swap3A_104 = tpu.vector_load %arg7[%swap3A_102, %swap3A_103] {strides = array<i32>} : memref<3x64xi32, #tpu.memory_space<vmem>>, vector<16xi32>,
    tpu.vector_store %arg7[%swap3A_102, %swap3A_103], %add3A_100 {strides = array<i32>} : memref<3x64xi32, #tpu.memory_space<vmem>>, vector<16xi32>,
    %add3A_105 = arith.constant 192 : i32
    %add3A_106 = arith.addi %add3A_80, %add3A_105 : i32
    %add3A_107 = vector.broadcast %add3A_106 : i32 to vector<16xi32>
    %add3A_108 = arith.addi %mul3A_3, %add3A_107 : vector<16xi32>
    %swap3A_109 = arith.constant 2 : i32
    %swap3A_110 = arith.index_cast %swap3A_109 : i32 to index
    %swap3A_111 = arith.constant 48 : index
    %swap3A_112 = tpu.vector_load %arg7[%swap3A_110, %swap3A_111] {strides = array<i32>} : memref<3x64xi32, #tpu.memory_space<vmem>>, vector<16xi32>,
    tpu.vector_store %arg7[%swap3A_110, %swap3A_111], %add3A_108 {strides = array<i32>} : memref<3x64xi32, #tpu.memory_space<vmem>>, vector<16xi32>,
    %dma_start3A = arith.constant 0 : i32
    %dma_start3A_113 = arith.constant 0 : i32
    %dma_start3A_114 = tpu.memref_slice %arg7[%dma_start3A, %dma_start3A_113] : memref<3x64xi32, #tpu.memory_space<vmem>> -> memref<1x64xi32, #tpu.memory_space<vmem>>
    %dma_start3A_115 = tpu.memref_squeeze %dma_start3A_114 : memref<1x64xi32, #tpu.memory_space<vmem>> -> memref<64xi32, #tpu.memory_space<vmem>>
    %dma_start3A_116 = arith.constant 0 : i32
    %dma_start3A_117 = arith.constant 0 : i32
    %dma_start3A_118 = tpu.memref_slice %arg3[%dma_start3A_116, %dma_start3A_117] : memref<512x128xi32, #tpu.memory_space<hbm>> -> memref<512x128xi32, #tpu.memory_space<hbm>>
    tpu.enqueue_indirect_dma source(%dma_start3A_118 : memref<512x128xi32, #tpu.memory_space<hbm>>) target(%arg8 : memref<64x128xi32, #tpu.memory_space<vmem>>) offsets(%dma_start3A_115 : memref<64xi32, #tpu.memory_space<vmem>>) semaphore(%arg16 : memref<!tpu.dma_semaphore, #tpu.memory_space<semaphore_mem>>)
    %dma_start3A_119 = arith.constant 1 : i32
    %dma_start3A_120 = arith.constant 0 : i32
    %dma_start3A_121 = tpu.memref_slice %arg7[%dma_start3A_119, %dma_start3A_120] : memref<3x64xi32, #tpu.memory_space<vmem>> -> memref<1x64xi32, #tpu.memory_space<vmem>>
    %dma_start3A_122 = tpu.memref_squeeze %dma_start3A_121 : memref<1x64xi32, #tpu.memory_space<vmem>> -> memref<64xi32, #tpu.memory_space<vmem>>
    %dma_start3A_123 = arith.constant 0 : i32
    %dma_start3A_124 = arith.constant 0 : i32
    %dma_start3A_125 = tpu.memref_slice %arg3[%dma_start3A_123, %dma_start3A_124] : memref<512x128xi32, #tpu.memory_space<hbm>> -> memref<512x128xi32, #tpu.memory_space<hbm>>
    tpu.enqueue_indirect_dma source(%dma_start3A_125 : memref<512x128xi32, #tpu.memory_space<hbm>>) target(%arg9 : memref<64x128xi32, #tpu.memory_space<vmem>>) offsets(%dma_start3A_122 : memref<64xi32, #tpu.memory_space<vmem>>) semaphore(%arg16 : memref<!tpu.dma_semaphore, #tpu.memory_space<semaphore_mem>>)
    %dma_start3A_126 = arith.constant 2 : i32
    %dma_start3A_127 = arith.constant 0 : i32
    %dma_start3A_128 = tpu.memref_slice %arg7[%dma_start3A_126, %dma_start3A_127] : memref<3x64xi32, #tpu.memory_space<vmem>> -> memref<1x64xi32, #tpu.memory_space<vmem>>
    %dma_start3A_129 = tpu.memref_squeeze %dma_start3A_128 : memref<1x64xi32, #tpu.memory_space<vmem>> -> memref<64xi32, #tpu.memory_space<vmem>>
    %dma_start3A_130 = arith.constant 0 : i32
    %dma_start3A_131 = arith.constant 0 : i32
    %dma_start3A_132 = tpu.memref_slice %arg3[%dma_start3A_130, %dma_start3A_131] : memref<512x128xi32, #tpu.memory_space<hbm>> -> memref<512x128xi32, #tpu.memory_space<hbm>>
    tpu.enqueue_indirect_dma source(%dma_start3A_132 : memref<512x128xi32, #tpu.memory_space<hbm>>) target(%arg10 : memref<64x128xi32, #tpu.memory_space<vmem>>) offsets(%dma_start3A_129 : memref<64xi32, #tpu.memory_space<vmem>>) semaphore(%arg16 : memref<!tpu.dma_semaphore, #tpu.memory_space<semaphore_mem>>)
    %add3A_133 = arith.constant 0 : i32
    %add3A_134 = arith.addi %mul3A_0, %add3A_133 : i32
    %shift_right_arithmetic3A = arith.constant 3 : i32
    %shift_right_arithmetic3A_135 = arith.shrsi %add3A_134, %shift_right_arithmetic3A : i32
    %mul3A_136 = arith.constant 1024 : i32
    %mul3A_137 = arith.muli %shift_right_arithmetic3A_135, %mul3A_136 : i32
    %and3A = arith.constant 7 : i32
    %and3A_138 = arith.andi %add3A_134, %and3A : i32
    %add3A_139 = arith.addi %mul3A_137, %and3A_138 : i32
    %add3A_140 = arith.constant 0 : i32
    %add3A_141 = arith.addi %add3A_139, %add3A_140 : i32
    %add3A_142 = vector.broadcast %add3A_141 : i32 to vector<16xi32>
    %add3A_143 = arith.addi %mul3A_6, %add3A_142 : vector<16xi32>
    %swap3A_144 = arith.constant 0 : i32
    %swap3A_145 = arith.index_cast %swap3A_144 : i32 to index
    %swap3A_146 = arith.constant 0 : index
    %swap3A_147 = tpu.vector_load %arg6[%swap3A_145, %swap3A_146] {strides = array<i32>} : memref<4x128xi32, #tpu.memory_space<vmem>>, vector<16xi32>,
    tpu.vector_store %arg6[%swap3A_145, %swap3A_146], %add3A_143 {strides = array<i32>} : memref<4x128xi32, #tpu.memory_space<vmem>>, vector<16xi32>,
    %add3A_148 = arith.constant 128 : i32
    %add3A_149 = arith.addi %add3A_139, %add3A_148 : i32
    %add3A_150 = vector.broadcast %add3A_149 : i32 to vector<16xi32>
    %add3A_151 = arith.addi %mul3A_6, %add3A_150 : vector<16xi32>
    %swap3A_152 = arith.constant 0 : i32
    %swap3A_153 = arith.index_cast %swap3A_152 : i32 to index
    %swap3A_154 = arith.constant 16 : index
    %swap3A_155 = tpu.vector_load %arg6[%swap3A_153, %swap3A_154] {strides = array<i32>} : memref<4x128xi32, #tpu.memory_space<vmem>>, vector<16xi32>,
    tpu.vector_store %arg6[%swap3A_153, %swap3A_154], %add3A_151 {strides = array<i32>} : memref<4x128xi32, #tpu.memory_space<vmem>>, vector<16xi32>,
    %add3A_156 = arith.constant 256 : i32
    %add3A_157 = arith.addi %add3A_139, %add3A_156 : i32
    %add3A_158 = vector.broadcast %add3A_157 : i32 to vector<16xi32>
    %add3A_159 = arith.addi %mul3A_6, %add3A_158 : vector<16xi32>
    %swap3A_160 = arith.constant 0 : i32
    %swap3A_161 = arith.index_cast %swap3A_160 : i32 to index
    %swap3A_162 = arith.constant 32 : index
    %swap3A_163 = tpu.vector_load %arg6[%swap3A_161, %swap3A_162] {strides = array<i32>} : memref<4x128xi32, #tpu.memory_space<vmem>>, vector<16xi32>,
    tpu.vector_store %arg6[%swap3A_161, %swap3A_162], %add3A_159 {strides = array<i32>} : memref<4x128xi32, #tpu.memory_space<vmem>>, vector<16xi32>,
    %add3A_164 = arith.constant 384 : i32
    %add3A_165 = arith.addi %add3A_139, %add3A_164 : i32
    %add3A_166 = vector.broadcast %add3A_165 : i32 to vector<16xi32>
    %add3A_167 = arith.addi %mul3A_6, %add3A_166 : vector<16xi32>
    %swap3A_168 = arith.constant 0 : i32
    %swap3A_169 = arith.index_cast %swap3A_168 : i32 to index
    %swap3A_170 = arith.constant 48 : index
    %swap3A_171 = tpu.vector_load %arg6[%swap3A_169, %swap3A_170] {strides = array<i32>} : memref<4x128xi32, #tpu.memory_space<vmem>>, vector<16xi32>,
    tpu.vector_store %arg6[%swap3A_169, %swap3A_170], %add3A_167 {strides = array<i32>} : memref<4x128xi32, #tpu.memory_space<vmem>>, vector<16xi32>,
    %add3A_172 = arith.constant 512 : i32
    %add3A_173 = arith.addi %add3A_139, %add3A_172 : i32
    %add3A_174 = vector.broadcast %add3A_173 : i32 to vector<16xi32>
    %add3A_175 = arith.addi %mul3A_6, %add3A_174 : vector<16xi32>
    %swap3A_176 = arith.constant 0 : i32
    %swap3A_177 = arith.index_cast %swap3A_176 : i32 to index
    %swap3A_178 = arith.constant 64 : index
    %swap3A_179 = tpu.vector_load %arg6[%swap3A_177, %swap3A_178] {strides = array<i32>} : memref<4x128xi32, #tpu.memory_space<vmem>>, vector<16xi32>,
    tpu.vector_store %arg6[%swap3A_177, %swap3A_178], %add3A_175 {strides = array<i32>} : memref<4x128xi32, #tpu.memory_space<vmem>>, vector<16xi32>,
    %add3A_180 = arith.constant 640 : i32
    %add3A_181 = arith.addi %add3A_139, %add3A_180 : i32
    %add3A_182 = vector.broadcast %add3A_181 : i32 to vector<16xi32>
    %add3A_183 = arith.addi %mul3A_6, %add3A_182 : vector<16xi32>
    %swap3A_184 = arith.constant 0 : i32
    %swap3A_185 = arith.index_cast %swap3A_184 : i32 to index
    %swap3A_186 = arith.constant 80 : index
    %swap3A_187 = tpu.vector_load %arg6[%swap3A_185, %swap3A_186] {strides = array<i32>} : memref<4x128xi32, #tpu.memory_space<vmem>>, vector<16xi32>,
    tpu.vector_store %arg6[%swap3A_185, %swap3A_186], %add3A_183 {strides = array<i32>} : memref<4x128xi32, #tpu.memory_space<vmem>>, vector<16xi32>,
    %add3A_188 = arith.constant 768 : i32
    %add3A_189 = arith.addi %add3A_139, %add3A_188 : i32
    %add3A_190 = vector.broadcast %add3A_189 : i32 to vector<16xi32>
    %add3A_191 = arith.addi %mul3A_6, %add3A_190 : vector<16xi32>
    %swap3A_192 = arith.constant 0 : i32
    %swap3A_193 = arith.index_cast %swap3A_192 : i32 to index
    %swap3A_194 = arith.constant 96 : index
    %swap3A_195 = tpu.vector_load %arg6[%swap3A_193, %swap3A_194] {strides = array<i32>} : memref<4x128xi32, #tpu.memory_space<vmem>>, vector<16xi32>,
    tpu.vector_store %arg6[%swap3A_193, %swap3A_194], %add3A_191 {strides = array<i32>} : memref<4x128xi32, #tpu.memory_space<vmem>>, vector<16xi32>,
    %add3A_196 = arith.constant 896 : i32
    %add3A_197 = arith.addi %add3A_139, %add3A_196 : i32
    %add3A_198 = vector.broadcast %add3A_197 : i32 to vector<16xi32>
    %add3A_199 = arith.addi %mul3A_6, %add3A_198 : vector<16xi32>
    %swap3A_200 = arith.constant 0 : i32
    %swap3A_201 = arith.index_cast %swap3A_200 : i32 to index
    %swap3A_202 = arith.constant 112 : index
    %swap3A_203 = tpu.vector_load %arg6[%swap3A_201, %swap3A_202] {strides = array<i32>} : memref<4x128xi32, #tpu.memory_space<vmem>>, vector<16xi32>,
    tpu.vector_store %arg6[%swap3A_201, %swap3A_202], %add3A_199 {strides = array<i32>} : memref<4x128xi32, #tpu.memory_space<vmem>>, vector<16xi32>,
    %add3A_204 = arith.constant 1 : i32
    %add3A_205 = arith.addi %mul3A_0, %add3A_204 : i32
    %shift_right_arithmetic3A_206 = arith.constant 3 : i32
    %shift_right_arithmetic3A_207 = arith.shrsi %add3A_205, %shift_right_arithmetic3A_206 : i32
    %mul3A_208 = arith.constant 1024 : i32
    %mul3A_209 = arith.muli %shift_right_arithmetic3A_207, %mul3A_208 : i32
    %and3A_210 = arith.constant 7 : i32
    %and3A_211 = arith.andi %add3A_205, %and3A_210 : i32
    %add3A_212 = arith.addi %mul3A_209, %and3A_211 : i32
    %add3A_213 = arith.constant 0 : i32
    %add3A_214 = arith.addi %add3A_212, %add3A_213 : i32
    %add3A_215 = vector.broadcast %add3A_214 : i32 to vector<16xi32>
    %add3A_216 = arith.addi %mul3A_6, %add3A_215 : vector<16xi32>
    %swap3A_217 = arith.constant 1 : i32
    %swap3A_218 = arith.index_cast %swap3A_217 : i32 to index
    %swap3A_219 = arith.constant 0 : index
    %swap3A_220 = tpu.vector_load %arg6[%swap3A_218, %swap3A_219] {strides = array<i32>} : memref<4x128xi32, #tpu.memory_space<vmem>>, vector<16xi32>,
    tpu.vector_store %arg6[%swap3A_218, %swap3A_219], %add3A_216 {strides = array<i32>} : memref<4x128xi32, #tpu.memory_space<vmem>>, vector<16xi32>,
    %add3A_221 = arith.constant 128 : i32
    %add3A_222 = arith.addi %add3A_212, %add3A_221 : i32
    %add3A_223 = vector.broadcast %add3A_222 : i32 to vector<16xi32>
    %add3A_224 = arith.addi %mul3A_6, %add3A_223 : vector<16xi32>
    %swap3A_225 = arith.constant 1 : i32
    %swap3A_226 = arith.index_cast %swap3A_225 : i32 to index
    %swap3A_227 = arith.constant 16 : index
    %swap3A_228 = tpu.vector_load %arg6[%swap3A_226, %swap3A_227] {strides = array<i32>} : memref<4x128xi32, #tpu.memory_space<vmem>>, vector<16xi32>,
    tpu.vector_store %arg6[%swap3A_226, %swap3A_227], %add3A_224 {strides = array<i32>} : memref<4x128xi32, #tpu.memory_space<vmem>>, vector<16xi32>,
    %add3A_229 = arith.constant 256 : i32
    %add3A_230 = arith.addi %add3A_212, %add3A_229 : i32
    %add3A_231 = vector.broadcast %add3A_230 : i32 to vector<16xi32>
    %add3A_232 = arith.addi %mul3A_6, %add3A_231 : vector<16xi32>
    %swap3A_233 = arith.constant 1 : i32
    %swap3A_234 = arith.index_cast %swap3A_233 : i32 to index
    %swap3A_235 = arith.constant 32 : index
    %swap3A_236 = tpu.vector_load %arg6[%swap3A_234, %swap3A_235] {strides = array<i32>} : memref<4x128xi32, #tpu.memory_space<vmem>>, vector<16xi32>,
    tpu.vector_store %arg6[%swap3A_234, %swap3A_235], %add3A_232 {strides = array<i32>} : memref<4x128xi32, #tpu.memory_space<vmem>>, vector<16xi32>,
    %add3A_237 = arith.constant 384 : i32
    %add3A_238 = arith.addi %add3A_212, %add3A_237 : i32
    %add3A_239 = vector.broadcast %add3A_238 : i32 to vector<16xi32>
    %add3A_240 = arith.addi %mul3A_6, %add3A_239 : vector<16xi32>
    %swap3A_241 = arith.constant 1 : i32
    %swap3A_242 = arith.index_cast %swap3A_241 : i32 to index
    %swap3A_243 = arith.constant 48 : index
    %swap3A_244 = tpu.vector_load %arg6[%swap3A_242, %swap3A_243] {strides = array<i32>} : memref<4x128xi32, #tpu.memory_space<vmem>>, vector<16xi32>,
    tpu.vector_store %arg6[%swap3A_242, %swap3A_243], %add3A_240 {strides = array<i32>} : memref<4x128xi32, #tpu.memory_space<vmem>>, vector<16xi32>,
    %add3A_245 = arith.constant 512 : i32
    %add3A_246 = arith.addi %add3A_212, %add3A_245 : i32
    %add3A_247 = vector.broadcast %add3A_246 : i32 to vector<16xi32>
    %add3A_248 = arith.addi %mul3A_6, %add3A_247 : vector<16xi32>
    %swap3A_249 = arith.constant 1 : i32
    %swap3A_250 = arith.index_cast %swap3A_249 : i32 to index
    %swap3A_251 = arith.constant 64 : index
    %swap3A_252 = tpu.vector_load %arg6[%swap3A_250, %swap3A_251] {strides = array<i32>} : memref<4x128xi32, #tpu.memory_space<vmem>>, vector<16xi32>,
    tpu.vector_store %arg6[%swap3A_250, %swap3A_251], %add3A_248 {strides = array<i32>} : memref<4x128xi32, #tpu.memory_space<vmem>>, vector<16xi32>,
    %add3A_253 = arith.constant 640 : i32
    %add3A_254 = arith.addi %add3A_212, %add3A_253 : i32
    %add3A_255 = vector.broadcast %add3A_254 : i32 to vector<16xi32>
    %add3A_256 = arith.addi %mul3A_6, %add3A_255 : vector<16xi32>
    %swap3A_257 = arith.constant 1 : i32
    %swap3A_258 = arith.index_cast %swap3A_257 : i32 to index
    %swap3A_259 = arith.constant 80 : index
    %swap3A_260 = tpu.vector_load %arg6[%swap3A_258, %swap3A_259] {strides = array<i32>} : memref<4x128xi32, #tpu.memory_space<vmem>>, vector<16xi32>,
    tpu.vector_store %arg6[%swap3A_258, %swap3A_259], %add3A_256 {strides = array<i32>} : memref<4x128xi32, #tpu.memory_space<vmem>>, vector<16xi32>,
    %add3A_261 = arith.constant 768 : i32
    %add3A_262 = arith.addi %add3A_212, %add3A_261 : i32
    %add3A_263 = vector.broadcast %add3A_262 : i32 to vector<16xi32>
    %add3A_264 = arith.addi %mul3A_6, %add3A_263 : vector<16xi32>
    %swap3A_265 = arith.constant 1 : i32
    %swap3A_266 = arith.index_cast %swap3A_265 : i32 to index
    %swap3A_267 = arith.constant 96 : index
    %swap3A_268 = tpu.vector_load %arg6[%swap3A_266, %swap3A_267] {strides = array<i32>} : memref<4x128xi32, #tpu.memory_space<vmem>>, vector<16xi32>,
    tpu.vector_store %arg6[%swap3A_266, %swap3A_267], %add3A_264 {strides = array<i32>} : memref<4x128xi32, #tpu.memory_space<vmem>>, vector<16xi32>,
    %add3A_269 = arith.constant 896 : i32
    %add3A_270 = arith.addi %add3A_212, %add3A_269 : i32
    %add3A_271 = vector.broadcast %add3A_270 : i32 to vector<16xi32>
    %add3A_272 = arith.addi %mul3A_6, %add3A_271 : vector<16xi32>
    %swap3A_273 = arith.constant 1 : i32
    %swap3A_274 = arith.index_cast %swap3A_273 : i32 to index
    %swap3A_275 = arith.constant 112 : index
    %swap3A_276 = tpu.vector_load %arg6[%swap3A_274, %swap3A_275] {strides = array<i32>} : memref<4x128xi32, #tpu.memory_space<vmem>>, vector<16xi32>,
    tpu.vector_store %arg6[%swap3A_274, %swap3A_275], %add3A_272 {strides = array<i32>} : memref<4x128xi32, #tpu.memory_space<vmem>>, vector<16xi32>,
    %add3A_277 = arith.constant 2 : i32
    %add3A_278 = arith.addi %mul3A_0, %add3A_277 : i32
    %shift_right_arithmetic3A_279 = arith.constant 3 : i32
    %shift_right_arithmetic3A_280 = arith.shrsi %add3A_278, %shift_right_arithmetic3A_279 : i32
    %mul3A_281 = arith.constant 1024 : i32
    %mul3A_282 = arith.muli %shift_right_arithmetic3A_280, %mul3A_281 : i32
    %and3A_283 = arith.constant 7 : i32
    %and3A_284 = arith.andi %add3A_278, %and3A_283 : i32
    %add3A_285 = arith.addi %mul3A_282, %and3A_284 : i32
    %add3A_286 = arith.constant 0 : i32
    %add3A_287 = arith.addi %add3A_285, %add3A_286 : i32
    %add3A_288 = vector.broadcast %add3A_287 : i32 to vector<16xi32>
    %add3A_289 = arith.addi %mul3A_6, %add3A_288 : vector<16xi32>
    %swap3A_290 = arith.constant 2 : i32
    %swap3A_291 = arith.index_cast %swap3A_290 : i32 to index
    %swap3A_292 = arith.constant 0 : index
    %swap3A_293 = tpu.vector_load %arg6[%swap3A_291, %swap3A_292] {strides = array<i32>} : memref<4x128xi32, #tpu.memory_space<vmem>>, vector<16xi32>,
    tpu.vector_store %arg6[%swap3A_291, %swap3A_292], %add3A_289 {strides = array<i32>} : memref<4x128xi32, #tpu.memory_space<vmem>>, vector<16xi32>,
    %add3A_294 = arith.constant 128 : i32
    %add3A_295 = arith.addi %add3A_285, %add3A_294 : i32
    %add3A_296 = vector.broadcast %add3A_295 : i32 to vector<16xi32>
    %add3A_297 = arith.addi %mul3A_6, %add3A_296 : vector<16xi32>
    %swap3A_298 = arith.constant 2 : i32
    %swap3A_299 = arith.index_cast %swap3A_298 : i32 to index
    %swap3A_300 = arith.constant 16 : index
    %swap3A_301 = tpu.vector_load %arg6[%swap3A_299, %swap3A_300] {strides = array<i32>} : memref<4x128xi32, #tpu.memory_space<vmem>>, vector<16xi32>,
    tpu.vector_store %arg6[%swap3A_299, %swap3A_300], %add3A_297 {strides = array<i32>} : memref<4x128xi32, #tpu.memory_space<vmem>>, vector<16xi32>,
    %add3A_302 = arith.constant 256 : i32
    %add3A_303 = arith.addi %add3A_285, %add3A_302 : i32
    %add3A_304 = vector.broadcast %add3A_303 : i32 to vector<16xi32>
    %add3A_305 = arith.addi %mul3A_6, %add3A_304 : vector<16xi32>
    %swap3A_306 = arith.constant 2 : i32
    %swap3A_307 = arith.index_cast %swap3A_306 : i32 to index
    %swap3A_308 = arith.constant 32 : index
    %swap3A_309 = tpu.vector_load %arg6[%swap3A_307, %swap3A_308] {strides = array<i32>} : memref<4x128xi32, #tpu.memory_space<vmem>>, vector<16xi32>,
    tpu.vector_store %arg6[%swap3A_307, %swap3A_308], %add3A_305 {strides = array<i32>} : memref<4x128xi32, #tpu.memory_space<vmem>>, vector<16xi32>,
    %add3A_310 = arith.constant 384 : i32
    %add3A_311 = arith.addi %add3A_285, %add3A_310 : i32
    %add3A_312 = vector.broadcast %add3A_311 : i32 to vector<16xi32>
    %add3A_313 = arith.addi %mul3A_6, %add3A_312 : vector<16xi32>
    %swap3A_314 = arith.constant 2 : i32
    %swap3A_315 = arith.index_cast %swap3A_314 : i32 to index
    %swap3A_316 = arith.constant 48 : index
    %swap3A_317 = tpu.vector_load %arg6[%swap3A_315, %swap3A_316] {strides = array<i32>} : memref<4x128xi32, #tpu.memory_space<vmem>>, vector<16xi32>,
    tpu.vector_store %arg6[%swap3A_315, %swap3A_316], %add3A_313 {strides = array<i32>} : memref<4x128xi32, #tpu.memory_space<vmem>>, vector<16xi32>,
    %add3A_318 = arith.constant 512 : i32
    %add3A_319 = arith.addi %add3A_285, %add3A_318 : i32
    %add3A_320 = vector.broadcast %add3A_319 : i32 to vector<16xi32>
    %add3A_321 = arith.addi %mul3A_6, %add3A_320 : vector<16xi32>
    %swap3A_322 = arith.constant 2 : i32
    %swap3A_323 = arith.index_cast %swap3A_322 : i32 to index
    %swap3A_324 = arith.constant 64 : index
    %swap3A_325 = tpu.vector_load %arg6[%swap3A_323, %swap3A_324] {strides = array<i32>} : memref<4x128xi32, #tpu.memory_space<vmem>>, vector<16xi32>,
    tpu.vector_store %arg6[%swap3A_323, %swap3A_324], %add3A_321 {strides = array<i32>} : memref<4x128xi32, #tpu.memory_space<vmem>>, vector<16xi32>,
    %add3A_326 = arith.constant 640 : i32
    %add3A_327 = arith.addi %add3A_285, %add3A_326 : i32
    %add3A_328 = vector.broadcast %add3A_327 : i32 to vector<16xi32>
    %add3A_329 = arith.addi %mul3A_6, %add3A_328 : vector<16xi32>
    %swap3A_330 = arith.constant 2 : i32
    %swap3A_331 = arith.index_cast %swap3A_330 : i32 to index
    %swap3A_332 = arith.constant 80 : index
    %swap3A_333 = tpu.vector_load %arg6[%swap3A_331, %swap3A_332] {strides = array<i32>} : memref<4x128xi32, #tpu.memory_space<vmem>>, vector<16xi32>,
    tpu.vector_store %arg6[%swap3A_331, %swap3A_332], %add3A_329 {strides = array<i32>} : memref<4x128xi32, #tpu.memory_space<vmem>>, vector<16xi32>,
    %add3A_334 = arith.constant 768 : i32
    %add3A_335 = arith.addi %add3A_285, %add3A_334 : i32
    %add3A_336 = vector.broadcast %add3A_335 : i32 to vector<16xi32>
    %add3A_337 = arith.addi %mul3A_6, %add3A_336 : vector<16xi32>
    %swap3A_338 = arith.constant 2 : i32
    %swap3A_339 = arith.index_cast %swap3A_338 : i32 to index
    %swap3A_340 = arith.constant 96 : index
    %swap3A_341 = tpu.vector_load %arg6[%swap3A_339, %swap3A_340] {strides = array<i32>} : memref<4x128xi32, #tpu.memory_space<vmem>>, vector<16xi32>,
    tpu.vector_store %arg6[%swap3A_339, %swap3A_340], %add3A_337 {strides = array<i32>} : memref<4x128xi32, #tpu.memory_space<vmem>>, vector<16xi32>,
    %add3A_342 = arith.constant 896 : i32
    %add3A_343 = arith.addi %add3A_285, %add3A_342 : i32
    %add3A_344 = vector.broadcast %add3A_343 : i32 to vector<16xi32>
    %add3A_345 = arith.addi %mul3A_6, %add3A_344 : vector<16xi32>
    %swap3A_346 = arith.constant 2 : i32
    %swap3A_347 = arith.index_cast %swap3A_346 : i32 to index
    %swap3A_348 = arith.constant 112 : index
    %swap3A_349 = tpu.vector_load %arg6[%swap3A_347, %swap3A_348] {strides = array<i32>} : memref<4x128xi32, #tpu.memory_space<vmem>>, vector<16xi32>,
    tpu.vector_store %arg6[%swap3A_347, %swap3A_348], %add3A_345 {strides = array<i32>} : memref<4x128xi32, #tpu.memory_space<vmem>>, vector<16xi32>,
    %add3A_350 = arith.constant 3 : i32
    %add3A_351 = arith.addi %mul3A_0, %add3A_350 : i32
    %shift_right_arithmetic3A_352 = arith.constant 3 : i32
    %shift_right_arithmetic3A_353 = arith.shrsi %add3A_351, %shift_right_arithmetic3A_352 : i32
    %mul3A_354 = arith.constant 1024 : i32
    %mul3A_355 = arith.muli %shift_right_arithmetic3A_353, %mul3A_354 : i32
    %and3A_356 = arith.constant 7 : i32
    %and3A_357 = arith.andi %add3A_351, %and3A_356 : i32
    %add3A_358 = arith.addi %mul3A_355, %and3A_357 : i32
    %add3A_359 = arith.constant 0 : i32
    %add3A_360 = arith.addi %add3A_358, %add3A_359 : i32
    %add3A_361 = vector.broadcast %add3A_360 : i32 to vector<16xi32>
    %add3A_362 = arith.addi %mul3A_6, %add3A_361 : vector<16xi32>
    %swap3A_363 = arith.constant 3 : i32
    %swap3A_364 = arith.index_cast %swap3A_363 : i32 to index
    %swap3A_365 = arith.constant 0 : index
    %swap3A_366 = tpu.vector_load %arg6[%swap3A_364, %swap3A_365] {strides = array<i32>} : memref<4x128xi32, #tpu.memory_space<vmem>>, vector<16xi32>,
    tpu.vector_store %arg6[%swap3A_364, %swap3A_365], %add3A_362 {strides = array<i32>} : memref<4x128xi32, #tpu.memory_space<vmem>>, vector<16xi32>,
    %add3A_367 = arith.constant 128 : i32
    %add3A_368 = arith.addi %add3A_358, %add3A_367 : i32
    %add3A_369 = vector.broadcast %add3A_368 : i32 to vector<16xi32>
    %add3A_370 = arith.addi %mul3A_6, %add3A_369 : vector<16xi32>
    %swap3A_371 = arith.constant 3 : i32
    %swap3A_372 = arith.index_cast %swap3A_371 : i32 to index
    %swap3A_373 = arith.constant 16 : index
    %swap3A_374 = tpu.vector_load %arg6[%swap3A_372, %swap3A_373] {strides = array<i32>} : memref<4x128xi32, #tpu.memory_space<vmem>>, vector<16xi32>,
    tpu.vector_store %arg6[%swap3A_372, %swap3A_373], %add3A_370 {strides = array<i32>} : memref<4x128xi32, #tpu.memory_space<vmem>>, vector<16xi32>,
    %add3A_375 = arith.constant 256 : i32
    %add3A_376 = arith.addi %add3A_358, %add3A_375 : i32
    %add3A_377 = vector.broadcast %add3A_376 : i32 to vector<16xi32>
    %add3A_378 = arith.addi %mul3A_6, %add3A_377 : vector<16xi32>
    %swap3A_379 = arith.constant 3 : i32
    %swap3A_380 = arith.index_cast %swap3A_379 : i32 to index
    %swap3A_381 = arith.constant 32 : index
    %swap3A_382 = tpu.vector_load %arg6[%swap3A_380, %swap3A_381] {strides = array<i32>} : memref<4x128xi32, #tpu.memory_space<vmem>>, vector<16xi32>,
    tpu.vector_store %arg6[%swap3A_380, %swap3A_381], %add3A_378 {strides = array<i32>} : memref<4x128xi32, #tpu.memory_space<vmem>>, vector<16xi32>,
    %add3A_383 = arith.constant 384 : i32
    %add3A_384 = arith.addi %add3A_358, %add3A_383 : i32
    %add3A_385 = vector.broadcast %add3A_384 : i32 to vector<16xi32>
    %add3A_386 = arith.addi %mul3A_6, %add3A_385 : vector<16xi32>
    %swap3A_387 = arith.constant 3 : i32
    %swap3A_388 = arith.index_cast %swap3A_387 : i32 to index
    %swap3A_389 = arith.constant 48 : index
    %swap3A_390 = tpu.vector_load %arg6[%swap3A_388, %swap3A_389] {strides = array<i32>} : memref<4x128xi32, #tpu.memory_space<vmem>>, vector<16xi32>,
    tpu.vector_store %arg6[%swap3A_388, %swap3A_389], %add3A_386 {strides = array<i32>} : memref<4x128xi32, #tpu.memory_space<vmem>>, vector<16xi32>,
    %add3A_391 = arith.constant 512 : i32
    %add3A_392 = arith.addi %add3A_358, %add3A_391 : i32
    %add3A_393 = vector.broadcast %add3A_392 : i32 to vector<16xi32>
    %add3A_394 = arith.addi %mul3A_6, %add3A_393 : vector<16xi32>
    %swap3A_395 = arith.constant 3 : i32
    %swap3A_396 = arith.index_cast %swap3A_395 : i32 to index
    %swap3A_397 = arith.constant 64 : index
    %swap3A_398 = tpu.vector_load %arg6[%swap3A_396, %swap3A_397] {strides = array<i32>} : memref<4x128xi32, #tpu.memory_space<vmem>>, vector<16xi32>,
    tpu.vector_store %arg6[%swap3A_396, %swap3A_397], %add3A_394 {strides = array<i32>} : memref<4x128xi32, #tpu.memory_space<vmem>>, vector<16xi32>,
    %add3A_399 = arith.constant 640 : i32
    %add3A_400 = arith.addi %add3A_358, %add3A_399 : i32
    %add3A_401 = vector.broadcast %add3A_400 : i32 to vector<16xi32>
    %add3A_402 = arith.addi %mul3A_6, %add3A_401 : vector<16xi32>
    %swap3A_403 = arith.constant 3 : i32
    %swap3A_404 = arith.index_cast %swap3A_403 : i32 to index
    %swap3A_405 = arith.constant 80 : index
    %swap3A_406 = tpu.vector_load %arg6[%swap3A_404, %swap3A_405] {strides = array<i32>} : memref<4x128xi32, #tpu.memory_space<vmem>>, vector<16xi32>,
    tpu.vector_store %arg6[%swap3A_404, %swap3A_405], %add3A_402 {strides = array<i32>} : memref<4x128xi32, #tpu.memory_space<vmem>>, vector<16xi32>,
    %add3A_407 = arith.constant 768 : i32
    %add3A_408 = arith.addi %add3A_358, %add3A_407 : i32
    %add3A_409 = vector.broadcast %add3A_408 : i32 to vector<16xi32>
    %add3A_410 = arith.addi %mul3A_6, %add3A_409 : vector<16xi32>
    %swap3A_411 = arith.constant 3 : i32
    %swap3A_412 = arith.index_cast %swap3A_411 : i32 to index
    %swap3A_413 = arith.constant 96 : index
    %swap3A_414 = tpu.vector_load %arg6[%swap3A_412, %swap3A_413] {strides = array<i32>} : memref<4x128xi32, #tpu.memory_space<vmem>>, vector<16xi32>,
    tpu.vector_store %arg6[%swap3A_412, %swap3A_413], %add3A_410 {strides = array<i32>} : memref<4x128xi32, #tpu.memory_space<vmem>>, vector<16xi32>,
    %add3A_415 = arith.constant 896 : i32
    %add3A_416 = arith.addi %add3A_358, %add3A_415 : i32
    %add3A_417 = vector.broadcast %add3A_416 : i32 to vector<16xi32>
    %add3A_418 = arith.addi %mul3A_6, %add3A_417 : vector<16xi32>
    %swap3A_419 = arith.constant 3 : i32
    %swap3A_420 = arith.index_cast %swap3A_419 : i32 to index
    %swap3A_421 = arith.constant 112 : index
    %swap3A_422 = tpu.vector_load %arg6[%swap3A_420, %swap3A_421] {strides = array<i32>} : memref<4x128xi32, #tpu.memory_space<vmem>>, vector<16xi32>,
    tpu.vector_store %arg6[%swap3A_420, %swap3A_421], %add3A_418 {strides = array<i32>} : memref<4x128xi32, #tpu.memory_space<vmem>>, vector<16xi32>,
    %dma_start3A_423 = arith.constant 0 : i32
    %dma_start3A_424 = arith.constant 0 : i32
    %dma_start3A_425 = arith.constant 0 : i32
    %dma_start3A_426 = tpu.memref_slice %arg5[%dma_start3A_424, %dma_start3A_425] : memref<512x128xf32, #tpu.memory_space<vmem>> -> memref<128x128xf32, #tpu.memory_space<vmem>>
    %dma_start3A_427 = arith.constant 0 : i32
    %dma_start3A_428 = tpu.memref_slice %arg6[%dma_start3A_423, %dma_start3A_427] : memref<4x128xi32, #tpu.memory_space<vmem>> -> memref<1x128xi32, #tpu.memory_space<vmem>>
    %dma_start3A_429 = tpu.memref_squeeze %dma_start3A_428 : memref<1x128xi32, #tpu.memory_space<vmem>> -> memref<128xi32, #tpu.memory_space<vmem>>
    %dma_start3A_430 = arith.constant 0 : i32
    %dma_start3A_431 = arith.constant 0 : i32
    %dma_start3A_432 = tpu.memref_slice %arg2[%dma_start3A_430, %dma_start3A_431] : memref<8192x128xf32, #tpu.memory_space<hbm>> -> memref<8192x128xf32, #tpu.memory_space<hbm>>
    tpu.enqueue_indirect_dma source(%dma_start3A_432 : memref<8192x128xf32, #tpu.memory_space<hbm>>) target(%dma_start3A_426 : memref<128x128xf32, #tpu.memory_space<vmem>>) offsets(%dma_start3A_429 : memref<128xi32, #tpu.memory_space<vmem>>) semaphore(%arg16 : memref<!tpu.dma_semaphore, #tpu.memory_space<semaphore_mem>>)
    %dma_start3A_433 = arith.constant 1 : i32
    %dma_start3A_434 = arith.constant 128 : i32
    %dma_start3A_435 = arith.constant 0 : i32
    %dma_start3A_436 = tpu.memref_slice %arg5[%dma_start3A_434, %dma_start3A_435] : memref<512x128xf32, #tpu.memory_space<vmem>> -> memref<128x128xf32, #tpu.memory_space<vmem>>
    %dma_start3A_437 = arith.constant 0 : i32
    %dma_start3A_438 = tpu.memref_slice %arg6[%dma_start3A_433, %dma_start3A_437] : memref<4x128xi32, #tpu.memory_space<vmem>> -> memref<1x128xi32, #tpu.memory_space<vmem>>
    %dma_start3A_439 = tpu.memref_squeeze %dma_start3A_438 : memref<1x128xi32, #tpu.memory_space<vmem>> -> memref<128xi32, #tpu.memory_space<vmem>>
    %dma_start3A_440 = arith.constant 0 : i32
    %dma_start3A_441 = arith.constant 0 : i32
    %dma_start3A_442 = tpu.memref_slice %arg2[%dma_start3A_440, %dma_start3A_441] : memref<8192x128xf32, #tpu.memory_space<hbm>> -> memref<8192x128xf32, #tpu.memory_space<hbm>>
    tpu.enqueue_indirect_dma source(%dma_start3A_442 : memref<8192x128xf32, #tpu.memory_space<hbm>>) target(%dma_start3A_436 : memref<128x128xf32, #tpu.memory_space<vmem>>) offsets(%dma_start3A_439 : memref<128xi32, #tpu.memory_space<vmem>>) semaphore(%arg16 : memref<!tpu.dma_semaphore, #tpu.memory_space<semaphore_mem>>)
    %dma_start3A_443 = arith.constant 2 : i32
    %dma_start3A_444 = arith.constant 256 : i32
    %dma_start3A_445 = arith.constant 0 : i32
    %dma_start3A_446 = tpu.memref_slice %arg5[%dma_start3A_444, %dma_start3A_445] : memref<512x128xf32, #tpu.memory_space<vmem>> -> memref<128x128xf32, #tpu.memory_space<vmem>>
    %dma_start3A_447 = arith.constant 0 : i32
    %dma_start3A_448 = tpu.memref_slice %arg6[%dma_start3A_443, %dma_start3A_447] : memref<4x128xi32, #tpu.memory_space<vmem>> -> memref<1x128xi32, #tpu.memory_space<vmem>>
    %dma_start3A_449 = tpu.memref_squeeze %dma_start3A_448 : memref<1x128xi32, #tpu.memory_space<vmem>> -> memref<128xi32, #tpu.memory_space<vmem>>
    %dma_start3A_450 = arith.constant 0 : i32
    %dma_start3A_451 = arith.constant 0 : i32
    %dma_start3A_452 = tpu.memref_slice %arg2[%dma_start3A_450, %dma_start3A_451] : memref<8192x128xf32, #tpu.memory_space<hbm>> -> memref<8192x128xf32, #tpu.memory_space<hbm>>
    tpu.enqueue_indirect_dma source(%dma_start3A_452 : memref<8192x128xf32, #tpu.memory_space<hbm>>) target(%dma_start3A_446 : memref<128x128xf32, #tpu.memory_space<vmem>>) offsets(%dma_start3A_449 : memref<128xi32, #tpu.memory_space<vmem>>) semaphore(%arg16 : memref<!tpu.dma_semaphore, #tpu.memory_space<semaphore_mem>>)
    %dma_start3A_453 = arith.constant 3 : i32
    %dma_start3A_454 = arith.constant 384 : i32
    %dma_start3A_455 = arith.constant 0 : i32
    %dma_start3A_456 = tpu.memref_slice %arg5[%dma_start3A_454, %dma_start3A_455] : memref<512x128xf32, #tpu.memory_space<vmem>> -> memref<128x128xf32, #tpu.memory_space<vmem>>
    %dma_start3A_457 = arith.constant 0 : i32
    %dma_start3A_458 = tpu.memref_slice %arg6[%dma_start3A_453, %dma_start3A_457] : memref<4x128xi32, #tpu.memory_space<vmem>> -> memref<1x128xi32, #tpu.memory_space<vmem>>
    %dma_start3A_459 = tpu.memref_squeeze %dma_start3A_458 : memref<1x128xi32, #tpu.memory_space<vmem>> -> memref<128xi32, #tpu.memory_space<vmem>>
    %dma_start3A_460 = arith.constant 0 : i32
    %dma_start3A_461 = arith.constant 0 : i32
    %dma_start3A_462 = tpu.memref_slice %arg2[%dma_start3A_460, %dma_start3A_461] : memref<8192x128xf32, #tpu.memory_space<hbm>> -> memref<8192x128xf32, #tpu.memory_space<hbm>>
    tpu.enqueue_indirect_dma source(%dma_start3A_462 : memref<8192x128xf32, #tpu.memory_space<hbm>>) target(%dma_start3A_456 : memref<128x128xf32, #tpu.memory_space<vmem>>) offsets(%dma_start3A_459 : memref<128xi32, #tpu.memory_space<vmem>>) semaphore(%arg16 : memref<!tpu.dma_semaphore, #tpu.memory_space<semaphore_mem>>)
    %add3A_463 = arith.constant 0 : i32
    %add3A_464 = vector.broadcast %add3A_463 : i32 to vector<16xi32>
    %add3A_465 = arith.addi %iota3A, %add3A_464 : vector<16xi32>
    %swap3A_466 = arith.constant 0 : index
    %swap3A_467 = tpu.vector_load %arg12[%swap3A_466] {strides = array<i32>} : memref<64xi32, #tpu.memory_space<vmem>>, vector<16xi32>,
    tpu.vector_store %arg12[%swap3A_466], %add3A_465 {strides = array<i32>} : memref<64xi32, #tpu.memory_space<vmem>>, vector<16xi32>,
    %add3A_468 = arith.constant 16 : i32
    %add3A_469 = vector.broadcast %add3A_468 : i32 to vector<16xi32>
    %add3A_470 = arith.addi %iota3A, %add3A_469 : vector<16xi32>
    %swap3A_471 = arith.constant 16 : index
    %swap3A_472 = tpu.vector_load %arg12[%swap3A_471] {strides = array<i32>} : memref<64xi32, #tpu.memory_space<vmem>>, vector<16xi32>,
    tpu.vector_store %arg12[%swap3A_471], %add3A_470 {strides = array<i32>} : memref<64xi32, #tpu.memory_space<vmem>>, vector<16xi32>,
    %add3A_473 = arith.constant 32 : i32
    %add3A_474 = vector.broadcast %add3A_473 : i32 to vector<16xi32>
    %add3A_475 = arith.addi %iota3A, %add3A_474 : vector<16xi32>
    %swap3A_476 = arith.constant 32 : index
    %swap3A_477 = tpu.vector_load %arg12[%swap3A_476] {strides = array<i32>} : memref<64xi32, #tpu.memory_space<vmem>>, vector<16xi32>,
    tpu.vector_store %arg12[%swap3A_476], %add3A_475 {strides = array<i32>} : memref<64xi32, #tpu.memory_space<vmem>>, vector<16xi32>,
    %add3A_478 = arith.constant 48 : i32
    %add3A_479 = vector.broadcast %add3A_478 : i32 to vector<16xi32>
    %add3A_480 = arith.addi %iota3A, %add3A_479 : vector<16xi32>
    %swap3A_481 = arith.constant 48 : index
    %swap3A_482 = tpu.vector_load %arg12[%swap3A_481] {strides = array<i32>} : memref<64xi32, #tpu.memory_space<vmem>>, vector<16xi32>,
    tpu.vector_store %arg12[%swap3A_481], %add3A_480 {strides = array<i32>} : memref<64xi32, #tpu.memory_space<vmem>>, vector<16xi32>,
    %dma_wait3A = arith.constant 0 : i32
    %dma_wait3A_483 = arith.constant 0 : i32
    %dma_wait3A_484 = tpu.memref_slice %arg7[%dma_wait3A, %dma_wait3A_483] : memref<3x64xi32, #tpu.memory_space<vmem>> -> memref<1x64xi32, #tpu.memory_space<vmem>>
    %dma_wait3A_485 = tpu.memref_squeeze %dma_wait3A_484 : memref<1x64xi32, #tpu.memory_space<vmem>> -> memref<64xi32, #tpu.memory_space<vmem>>
    %dma_wait3A_486 = arith.constant 0 : i32
    %dma_wait3A_487 = arith.constant 0 : i32
    %dma_wait3A_488 = tpu.memref_slice %arg3[%dma_wait3A_486, %dma_wait3A_487] : memref<512x128xi32, #tpu.memory_space<hbm>> -> memref<512x128xi32, #tpu.memory_space<hbm>>
    tpu.wait_indirect_dma semaphore(%arg16 : memref<!tpu.dma_semaphore, #tpu.memory_space<semaphore_mem>>) src(%dma_wait3A_488 : memref<512x128xi32, #tpu.memory_space<hbm>>) dst(%arg8 : memref<64x128xi32, #tpu.memory_space<vmem>>)
    %dma_wait3A_489 = arith.constant 1 : i32
    %dma_wait3A_490 = arith.constant 0 : i32
    %dma_wait3A_491 = tpu.memref_slice %arg7[%dma_wait3A_489, %dma_wait3A_490] : memref<3x64xi32, #tpu.memory_space<vmem>> -> memref<1x64xi32, #tpu.memory_space<vmem>>
    %dma_wait3A_492 = tpu.memref_squeeze %dma_wait3A_491 : memref<1x64xi32, #tpu.memory_space<vmem>> -> memref<64xi32, #tpu.memory_space<vmem>>
    %dma_wait3A_493 = arith.constant 0 : i32
    %dma_wait3A_494 = arith.constant 0 : i32
    %dma_wait3A_495 = tpu.memref_slice %arg3[%dma_wait3A_493, %dma_wait3A_494] : memref<512x128xi32, #tpu.memory_space<hbm>> -> memref<512x128xi32, #tpu.memory_space<hbm>>
    tpu.wait_indirect_dma semaphore(%arg16 : memref<!tpu.dma_semaphore, #tpu.memory_space<semaphore_mem>>) src(%dma_wait3A_495 : memref<512x128xi32, #tpu.memory_space<hbm>>) dst(%arg9 : memref<64x128xi32, #tpu.memory_space<vmem>>)
    %dma_wait3A_496 = arith.constant 2 : i32
    %dma_wait3A_497 = arith.constant 0 : i32
    %dma_wait3A_498 = tpu.memref_slice %arg7[%dma_wait3A_496, %dma_wait3A_497] : memref<3x64xi32, #tpu.memory_space<vmem>> -> memref<1x64xi32, #tpu.memory_space<vmem>>
    %dma_wait3A_499 = tpu.memref_squeeze %dma_wait3A_498 : memref<1x64xi32, #tpu.memory_space<vmem>> -> memref<64xi32, #tpu.memory_space<vmem>>
    %dma_wait3A_500 = arith.constant 0 : i32
    %dma_wait3A_501 = arith.constant 0 : i32
    %dma_wait3A_502 = tpu.memref_slice %arg3[%dma_wait3A_500, %dma_wait3A_501] : memref<512x128xi32, #tpu.memory_space<hbm>> -> memref<512x128xi32, #tpu.memory_space<hbm>>
    tpu.wait_indirect_dma semaphore(%arg16 : memref<!tpu.dma_semaphore, #tpu.memory_space<semaphore_mem>>) src(%dma_wait3A_502 : memref<512x128xi32, #tpu.memory_space<hbm>>) dst(%arg10 : memref<64x128xi32, #tpu.memory_space<vmem>>)
    %dma_wait3A_503 = arith.constant 0 : i32
    %dma_wait3A_504 = arith.constant 0 : i32
    %dma_wait3A_505 = arith.constant 0 : i32
    %dma_wait3A_506 = tpu.memref_slice %arg5[%dma_wait3A_504, %dma_wait3A_505] : memref<512x128xf32, #tpu.memory_space<vmem>> -> memref<128x128xf32, #tpu.memory_space<vmem>>
    %dma_wait3A_507 = arith.constant 0 : i32
    %dma_wait3A_508 = tpu.memref_slice %arg6[%dma_wait3A_503, %dma_wait3A_507] : memref<4x128xi32, #tpu.memory_space<vmem>> -> memref<1x128xi32, #tpu.memory_space<vmem>>
    %dma_wait3A_509 = tpu.memref_squeeze %dma_wait3A_508 : memref<1x128xi32, #tpu.memory_space<vmem>> -> memref<128xi32, #tpu.memory_space<vmem>>
    %dma_wait3A_510 = arith.constant 0 : i32
    %dma_wait3A_511 = arith.constant 0 : i32
    %dma_wait3A_512 = tpu.memref_slice %arg2[%dma_wait3A_510, %dma_wait3A_511] : memref<8192x128xf32, #tpu.memory_space<hbm>> -> memref<8192x128xf32, #tpu.memory_space<hbm>>
    tpu.wait_indirect_dma semaphore(%arg16 : memref<!tpu.dma_semaphore, #tpu.memory_space<semaphore_mem>>) src(%dma_wait3A_512 : memref<8192x128xf32, #tpu.memory_space<hbm>>) dst(%dma_wait3A_506 : memref<128x128xf32, #tpu.memory_space<vmem>>)
    %dma_wait3A_513 = arith.constant 1 : i32
    %dma_wait3A_514 = arith.constant 128 : i32
    %dma_wait3A_515 = arith.constant 0 : i32
    %dma_wait3A_516 = tpu.memref_slice %arg5[%dma_wait3A_514, %dma_wait3A_515] : memref<512x128xf32, #tpu.memory_space<vmem>> -> memref<128x128xf32, #tpu.memory_space<vmem>>
    %dma_wait3A_517 = arith.constant 0 : i32
    %dma_wait3A_518 = tpu.memref_slice %arg6[%dma_wait3A_513, %dma_wait3A_517] : memref<4x128xi32, #tpu.memory_space<vmem>> -> memref<1x128xi32, #tpu.memory_space<vmem>>
    %dma_wait3A_519 = tpu.memref_squeeze %dma_wait3A_518 : memref<1x128xi32, #tpu.memory_space<vmem>> -> memref<128xi32, #tpu.memory_space<vmem>>
    %dma_wait3A_520 = arith.constant 0 : i32
    %dma_wait3A_521 = arith.constant 0 : i32
    %dma_wait3A_522 = tpu.memref_slice %arg2[%dma_wait3A_520, %dma_wait3A_521] : memref<8192x128xf32, #tpu.memory_space<hbm>> -> memref<8192x128xf32, #tpu.memory_space<hbm>>
    tpu.wait_indirect_dma semaphore(%arg16 : memref<!tpu.dma_semaphore, #tpu.memory_space<semaphore_mem>>) src(%dma_wait3A_522 : memref<8192x128xf32, #tpu.memory_space<hbm>>) dst(%dma_wait3A_516 : memref<128x128xf32, #tpu.memory_space<vmem>>)
    %dma_wait3A_523 = arith.constant 2 : i32
    %dma_wait3A_524 = arith.constant 256 : i32
    %dma_wait3A_525 = arith.constant 0 : i32
    %dma_wait3A_526 = tpu.memref_slice %arg5[%dma_wait3A_524, %dma_wait3A_525] : memref<512x128xf32, #tpu.memory_space<vmem>> -> memref<128x128xf32, #tpu.memory_space<vmem>>
    %dma_wait3A_527 = arith.constant 0 : i32
    %dma_wait3A_528 = tpu.memref_slice %arg6[%dma_wait3A_523, %dma_wait3A_527] : memref<4x128xi32, #tpu.memory_space<vmem>> -> memref<1x128xi32, #tpu.memory_space<vmem>>
    %dma_wait3A_529 = tpu.memref_squeeze %dma_wait3A_528 : memref<1x128xi32, #tpu.memory_space<vmem>> -> memref<128xi32, #tpu.memory_space<vmem>>
    %dma_wait3A_530 = arith.constant 0 : i32
    %dma_wait3A_531 = arith.constant 0 : i32
    %dma_wait3A_532 = tpu.memref_slice %arg2[%dma_wait3A_530, %dma_wait3A_531] : memref<8192x128xf32, #tpu.memory_space<hbm>> -> memref<8192x128xf32, #tpu.memory_space<hbm>>
    tpu.wait_indirect_dma semaphore(%arg16 : memref<!tpu.dma_semaphore, #tpu.memory_space<semaphore_mem>>) src(%dma_wait3A_532 : memref<8192x128xf32, #tpu.memory_space<hbm>>) dst(%dma_wait3A_526 : memref<128x128xf32, #tpu.memory_space<vmem>>)
    %dma_wait3A_533 = arith.constant 3 : i32
    %dma_wait3A_534 = arith.constant 384 : i32
    %dma_wait3A_535 = arith.constant 0 : i32
    %dma_wait3A_536 = tpu.memref_slice %arg5[%dma_wait3A_534, %dma_wait3A_535] : memref<512x128xf32, #tpu.memory_space<vmem>> -> memref<128x128xf32, #tpu.memory_space<vmem>>
    %dma_wait3A_537 = arith.constant 0 : i32
    %dma_wait3A_538 = tpu.memref_slice %arg6[%dma_wait3A_533, %dma_wait3A_537] : memref<4x128xi32, #tpu.memory_space<vmem>> -> memref<1x128xi32, #tpu.memory_space<vmem>>
    %dma_wait3A_539 = tpu.memref_squeeze %dma_wait3A_538 : memref<1x128xi32, #tpu.memory_space<vmem>> -> memref<128xi32, #tpu.memory_space<vmem>>
    %dma_wait3A_540 = arith.constant 0 : i32
    %dma_wait3A_541 = arith.constant 0 : i32
    %dma_wait3A_542 = tpu.memref_slice %arg2[%dma_wait3A_540, %dma_wait3A_541] : memref<8192x128xf32, #tpu.memory_space<hbm>> -> memref<8192x128xf32, #tpu.memory_space<hbm>>
    tpu.wait_indirect_dma semaphore(%arg16 : memref<!tpu.dma_semaphore, #tpu.memory_space<semaphore_mem>>) src(%dma_wait3A_542 : memref<8192x128xf32, #tpu.memory_space<hbm>>) dst(%dma_wait3A_536 : memref<128x128xf32, #tpu.memory_space<vmem>>)
    %scan3A = arith.constant 0 : i32
    %scan3A_543 = arith.constant 0 : i32
    %scan3A_544 = arith.constant 256 : i32
    %scan3A_545 = arith.addi %scan3A_543, %scan3A_544 : i32
    %scan3A_546 = arith.constant 1 : i32
    scf.for %scan3A_939 = %scan3A_543 to %scan3A_545 step %scan3A_546  : i32 {
      %mul3A_940 = arith.constant 2 : i32
      %mul3A_941 = arith.muli %mul3A_940, %scan3A_939 : i32
      %add3A_942 = arith.constant 0 : i32
      %add3A_943 = arith.addi %mul3A_941, %add3A_942 : i32
      %shift_right_arithmetic3A_944 = arith.constant 3 : i32
      %shift_right_arithmetic3A_945 = arith.shrsi %add3A_943, %shift_right_arithmetic3A_944 : i32
      %and3A_946 = arith.constant 7 : i32
      %and3A_947 = arith.andi %add3A_943, %and3A_946 : i32
      %mul3A_948 = arith.constant 16 : i32
      %mul3A_949 = arith.muli %and3A_947, %mul3A_948 : i32
      %get3A_950 = arith.index_cast %shift_right_arithmetic3A_945 : i32 to index
      %get3A_951 = arith.index_cast %mul3A_949 : i32 to index
      %get3A_952 = tpu.vector_load %arg8[%get3A_950, %get3A_951] {strides = array<i32>} : memref<64x128xi32, #tpu.memory_space<vmem>>, vector<16xi32>,
      %get3A_953 = arith.index_cast %shift_right_arithmetic3A_945 : i32 to index
      %get3A_954 = arith.index_cast %mul3A_949 : i32 to index
      %get3A_955 = tpu.vector_load %arg9[%get3A_953, %get3A_954] {strides = array<i32>} : memref<64x128xi32, #tpu.memory_space<vmem>>, vector<16xi32>,
      %get3A_956 = arith.index_cast %shift_right_arithmetic3A_945 : i32 to index
      %get3A_957 = arith.index_cast %mul3A_949 : i32 to index
      %get3A_958 = tpu.vector_load %arg10[%get3A_956, %get3A_957] {strides = array<i32>} : memref<64x128xi32, #tpu.memory_space<vmem>>, vector<16xi32>,
      %shift_right_arithmetic3A_959 = arith.constant 7 : i32
      %shift_right_arithmetic3A_960 = vector.broadcast %shift_right_arithmetic3A_959 : i32 to vector<16xi32>
      %shift_right_arithmetic3A_961 = arith.shrsi %get3A_952, %shift_right_arithmetic3A_960 : vector<16xi32>
      %shift_right_arithmetic3A_962 = arith.constant 7 : i32
      %shift_right_arithmetic3A_963 = vector.broadcast %shift_right_arithmetic3A_962 : i32 to vector<16xi32>
      %shift_right_arithmetic3A_964 = arith.shrsi %get3A_955, %shift_right_arithmetic3A_963 : vector<16xi32>
      %shift_right_arithmetic3A_965 = arith.constant 7 : i32
      %shift_right_arithmetic3A_966 = vector.broadcast %shift_right_arithmetic3A_965 : i32 to vector<16xi32>
      %shift_right_arithmetic3A_967 = arith.shrsi %get3A_958, %shift_right_arithmetic3A_966 : vector<16xi32>
      %and3A_968 = arith.constant 127 : i32
      %and3A_969 = vector.broadcast %and3A_968 : i32 to vector<16xi32>
      %and3A_970 = arith.andi %get3A_952, %and3A_969 : vector<16xi32>
      %and3A_971 = arith.constant 127 : i32
      %and3A_972 = vector.broadcast %and3A_971 : i32 to vector<16xi32>
      %and3A_973 = arith.andi %get3A_955, %and3A_972 : vector<16xi32>
      %and3A_974 = arith.constant 127 : i32
      %and3A_975 = vector.broadcast %and3A_974 : i32 to vector<16xi32>
      %and3A_976 = arith.andi %get3A_958, %and3A_975 : vector<16xi32>
      %gather3A_977 = tpu.vector_load_idx %arg5[%shift_right_arithmetic3A_961, %and3A_970] : memref<512x128xf32, #tpu.memory_space<vmem>>[vector<16xi32>, vector<16xi32>], vector<16xf32>,
      %gather3A_978 = tpu.vector_load_idx %arg5[%shift_right_arithmetic3A_964, %and3A_973] : memref<512x128xf32, #tpu.memory_space<vmem>>[vector<16xi32>, vector<16xi32>], vector<16xf32>,
      %gather3A_979 = tpu.vector_load_idx %arg5[%shift_right_arithmetic3A_967, %and3A_976] : memref<512x128xf32, #tpu.memory_space<vmem>>[vector<16xi32>, vector<16xi32>], vector<16xf32>,
      %sub3A = arith.subf %gather3A_978, %gather3A_979 : vector<16xf32>
      %add3A_980 = arith.addf %gather3A_978, %gather3A_979 : vector<16xf32>
      %sub3A_981 = arith.subf %add3A_980, %gather3A_977 : vector<16xf32>
      %sub3A_982 = arith.subf %sub3A_981, %gather3A_977 : vector<16xf32>
      %mul3A_983 = arith.mulf %sub3A, %sub3A_982 : vector<16xf32>
      %add3A_984 = arith.constant 128 : i32
      %add3A_985 = vector.broadcast %add3A_984 : i32 to vector<16xi32>
      %add3A_986 = arith.addi %shift_right_arithmetic3A_961, %add3A_985 : vector<16xi32>
      %add3A_987 = arith.constant 128 : i32
      %add3A_988 = vector.broadcast %add3A_987 : i32 to vector<16xi32>
      %add3A_989 = arith.addi %shift_right_arithmetic3A_964, %add3A_988 : vector<16xi32>
      %add3A_990 = arith.constant 128 : i32
      %add3A_991 = vector.broadcast %add3A_990 : i32 to vector<16xi32>
      %add3A_992 = arith.addi %shift_right_arithmetic3A_967, %add3A_991 : vector<16xi32>
      %gather3A_993 = tpu.vector_load_idx %arg5[%add3A_986, %and3A_970] : memref<512x128xf32, #tpu.memory_space<vmem>>[vector<16xi32>, vector<16xi32>], vector<16xf32>,
      %gather3A_994 = tpu.vector_load_idx %arg5[%add3A_989, %and3A_973] : memref<512x128xf32, #tpu.memory_space<vmem>>[vector<16xi32>, vector<16xi32>], vector<16xf32>,
      %gather3A_995 = tpu.vector_load_idx %arg5[%add3A_992, %and3A_976] : memref<512x128xf32, #tpu.memory_space<vmem>>[vector<16xi32>, vector<16xi32>], vector<16xf32>,
      %sub3A_996 = arith.subf %gather3A_994, %gather3A_995 : vector<16xf32>
      %add3A_997 = arith.addf %gather3A_994, %gather3A_995 : vector<16xf32>
      %sub3A_998 = arith.subf %add3A_997, %gather3A_993 : vector<16xf32>
      %sub3A_999 = arith.subf %sub3A_998, %gather3A_993 : vector<16xf32>
      %mul3A_1000 = arith.mulf %sub3A_996, %sub3A_999 : vector<16xf32>
      %add3A_1001 = arith.addf %mul3A_983, %mul3A_1000 : vector<16xf32>
      %add3A_1002 = arith.constant 256 : i32
      %add3A_1003 = vector.broadcast %add3A_1002 : i32 to vector<16xi32>
      %add3A_1004 = arith.addi %shift_right_arithmetic3A_961, %add3A_1003 : vector<16xi32>
      %add3A_1005 = arith.constant 256 : i32
      %add3A_1006 = vector.broadcast %add3A_1005 : i32 to vector<16xi32>
      %add3A_1007 = arith.addi %shift_right_arithmetic3A_964, %add3A_1006 : vector<16xi32>
      %add3A_1008 = arith.constant 256 : i32
      %add3A_1009 = vector.broadcast %add3A_1008 : i32 to vector<16xi32>
      %add3A_1010 = arith.addi %shift_right_arithmetic3A_967, %add3A_1009 : vector<16xi32>
      %gather3A_1011 = tpu.vector_load_idx %arg5[%add3A_1004, %and3A_970] : memref<512x128xf32, #tpu.memory_space<vmem>>[vector<16xi32>, vector<16xi32>], vector<16xf32>,
      %gather3A_1012 = tpu.vector_load_idx %arg5[%add3A_1007, %and3A_973] : memref<512x128xf32, #tpu.memory_space<vmem>>[vector<16xi32>, vector<16xi32>], vector<16xf32>,
      %gather3A_1013 = tpu.vector_load_idx %arg5[%add3A_1010, %and3A_976] : memref<512x128xf32, #tpu.memory_space<vmem>>[vector<16xi32>, vector<16xi32>], vector<16xf32>,
      %sub3A_1014 = arith.subf %gather3A_1012, %gather3A_1013 : vector<16xf32>
      %add3A_1015 = arith.addf %gather3A_1012, %gather3A_1013 : vector<16xf32>
      %sub3A_1016 = arith.subf %add3A_1015, %gather3A_1011 : vector<16xf32>
      %sub3A_1017 = arith.subf %sub3A_1016, %gather3A_1011 : vector<16xf32>
      %mul3A_1018 = arith.mulf %sub3A_1014, %sub3A_1017 : vector<16xf32>
      %add3A_1019 = arith.addf %add3A_1001, %mul3A_1018 : vector<16xf32>
      %add3A_1020 = arith.constant 384 : i32
      %add3A_1021 = vector.broadcast %add3A_1020 : i32 to vector<16xi32>
      %add3A_1022 = arith.addi %shift_right_arithmetic3A_961, %add3A_1021 : vector<16xi32>
      %add3A_1023 = arith.constant 384 : i32
      %add3A_1024 = vector.broadcast %add3A_1023 : i32 to vector<16xi32>
      %add3A_1025 = arith.addi %shift_right_arithmetic3A_964, %add3A_1024 : vector<16xi32>
      %add3A_1026 = arith.constant 384 : i32
      %add3A_1027 = vector.broadcast %add3A_1026 : i32 to vector<16xi32>
      %add3A_1028 = arith.addi %shift_right_arithmetic3A_967, %add3A_1027 : vector<16xi32>
      %gather3A_1029 = tpu.vector_load_idx %arg5[%add3A_1022, %and3A_970] : memref<512x128xf32, #tpu.memory_space<vmem>>[vector<16xi32>, vector<16xi32>], vector<16xf32>,
      %gather3A_1030 = tpu.vector_load_idx %arg5[%add3A_1025, %and3A_973] : memref<512x128xf32, #tpu.memory_space<vmem>>[vector<16xi32>, vector<16xi32>], vector<16xf32>,
      %gather3A_1031 = tpu.vector_load_idx %arg5[%add3A_1028, %and3A_976] : memref<512x128xf32, #tpu.memory_space<vmem>>[vector<16xi32>, vector<16xi32>], vector<16xf32>,
      %sub3A_1032 = arith.subf %gather3A_1030, %gather3A_1031 : vector<16xf32>
      %add3A_1033 = arith.addf %gather3A_1030, %gather3A_1031 : vector<16xf32>
      %sub3A_1034 = arith.subf %add3A_1033, %gather3A_1029 : vector<16xf32>
      %sub3A_1035 = arith.subf %sub3A_1034, %gather3A_1029 : vector<16xf32>
      %mul3A_1036 = arith.mulf %sub3A_1032, %sub3A_1035 : vector<16xf32>
      %add3A_1037 = arith.addf %add3A_1019, %mul3A_1036 : vector<16xf32>
      %swap3A_1038 = arith.index_cast %shift_right_arithmetic3A_945 : i32 to index
      %swap3A_1039 = arith.index_cast %mul3A_949 : i32 to index
      %swap3A_1040 = tpu.vector_load %arg11[%swap3A_1038, %swap3A_1039] {strides = array<i32>} : memref<64x128xf32, #tpu.memory_space<vmem>>, vector<16xf32>,
      tpu.vector_store %arg11[%swap3A_1038, %swap3A_1039], %add3A_1037 {strides = array<i32>} : memref<64x128xf32, #tpu.memory_space<vmem>>, vector<16xf32>,
      %mul3A_1041 = arith.constant 2 : i32
      %mul3A_1042 = arith.muli %mul3A_1041, %scan3A_939 : i32
      %add3A_1043 = arith.constant 1 : i32
      %add3A_1044 = arith.addi %mul3A_1042, %add3A_1043 : i32
      %shift_right_arithmetic3A_1045 = arith.constant 3 : i32
      %shift_right_arithmetic3A_1046 = arith.shrsi %add3A_1044, %shift_right_arithmetic3A_1045 : i32
      %and3A_1047 = arith.constant 7 : i32
      %and3A_1048 = arith.andi %add3A_1044, %and3A_1047 : i32
      %mul3A_1049 = arith.constant 16 : i32
      %mul3A_1050 = arith.muli %and3A_1048, %mul3A_1049 : i32
      %get3A_1051 = arith.index_cast %shift_right_arithmetic3A_1046 : i32 to index
      %get3A_1052 = arith.index_cast %mul3A_1050 : i32 to index
      %get3A_1053 = tpu.vector_load %arg8[%get3A_1051, %get3A_1052] {strides = array<i32>} : memref<64x128xi32, #tpu.memory_space<vmem>>, vector<16xi32>,
      %get3A_1054 = arith.index_cast %shift_right_arithmetic3A_1046 : i32 to index
      %get3A_1055 = arith.index_cast %mul3A_1050 : i32 to index
      %get3A_1056 = tpu.vector_load %arg9[%get3A_1054, %get3A_1055] {strides = array<i32>} : memref<64x128xi32, #tpu.memory_space<vmem>>, vector<16xi32>,
      %get3A_1057 = arith.index_cast %shift_right_arithmetic3A_1046 : i32 to index
      %get3A_1058 = arith.index_cast %mul3A_1050 : i32 to index
      %get3A_1059 = tpu.vector_load %arg10[%get3A_1057, %get3A_1058] {strides = array<i32>} : memref<64x128xi32, #tpu.memory_space<vmem>>, vector<16xi32>,
      %shift_right_arithmetic3A_1060 = arith.constant 7 : i32
      %shift_right_arithmetic3A_1061 = vector.broadcast %shift_right_arithmetic3A_1060 : i32 to vector<16xi32>
      %shift_right_arithmetic3A_1062 = arith.shrsi %get3A_1053, %shift_right_arithmetic3A_1061 : vector<16xi32>
      %shift_right_arithmetic3A_1063 = arith.constant 7 : i32
      %shift_right_arithmetic3A_1064 = vector.broadcast %shift_right_arithmetic3A_1063 : i32 to vector<16xi32>
      %shift_right_arithmetic3A_1065 = arith.shrsi %get3A_1056, %shift_right_arithmetic3A_1064 : vector<16xi32>
      %shift_right_arithmetic3A_1066 = arith.constant 7 : i32
      %shift_right_arithmetic3A_1067 = vector.broadcast %shift_right_arithmetic3A_1066 : i32 to vector<16xi32>
      %shift_right_arithmetic3A_1068 = arith.shrsi %get3A_1059, %shift_right_arithmetic3A_1067 : vector<16xi32>
      %and3A_1069 = arith.constant 127 : i32
      %and3A_1070 = vector.broadcast %and3A_1069 : i32 to vector<16xi32>
      %and3A_1071 = arith.andi %get3A_1053, %and3A_1070 : vector<16xi32>
      %and3A_1072 = arith.constant 127 : i32
      %and3A_1073 = vector.broadcast %and3A_1072 : i32 to vector<16xi32>
      %and3A_1074 = arith.andi %get3A_1056, %and3A_1073 : vector<16xi32>
      %and3A_1075 = arith.constant 127 : i32
      %and3A_1076 = vector.broadcast %and3A_1075 : i32 to vector<16xi32>
      %and3A_1077 = arith.andi %get3A_1059, %and3A_1076 : vector<16xi32>
      %gather3A_1078 = tpu.vector_load_idx %arg5[%shift_right_arithmetic3A_1062, %and3A_1071] : memref<512x128xf32, #tpu.memory_space<vmem>>[vector<16xi32>, vector<16xi32>], vector<16xf32>,
      %gather3A_1079 = tpu.vector_load_idx %arg5[%shift_right_arithmetic3A_1065, %and3A_1074] : memref<512x128xf32, #tpu.memory_space<vmem>>[vector<16xi32>, vector<16xi32>], vector<16xf32>,
      %gather3A_1080 = tpu.vector_load_idx %arg5[%shift_right_arithmetic3A_1068, %and3A_1077] : memref<512x128xf32, #tpu.memory_space<vmem>>[vector<16xi32>, vector<16xi32>], vector<16xf32>,
      %sub3A_1081 = arith.subf %gather3A_1079, %gather3A_1080 : vector<16xf32>
      %add3A_1082 = arith.addf %gather3A_1079, %gather3A_1080 : vector<16xf32>
      %sub3A_1083 = arith.subf %add3A_1082, %gather3A_1078 : vector<16xf32>
      %sub3A_1084 = arith.subf %sub3A_1083, %gather3A_1078 : vector<16xf32>
      %mul3A_1085 = arith.mulf %sub3A_1081, %sub3A_1084 : vector<16xf32>
      %add3A_1086 = arith.constant 128 : i32
      %add3A_1087 = vector.broadcast %add3A_1086 : i32 to vector<16xi32>
      %add3A_1088 = arith.addi %shift_right_arithmetic3A_1062, %add3A_1087 : vector<16xi32>
      %add3A_1089 = arith.constant 128 : i32
      %add3A_1090 = vector.broadcast %add3A_1089 : i32 to vector<16xi32>
      %add3A_1091 = arith.addi %shift_right_arithmetic3A_1065, %add3A_1090 : vector<16xi32>
      %add3A_1092 = arith.constant 128 : i32
      %add3A_1093 = vector.broadcast %add3A_1092 : i32 to vector<16xi32>
      %add3A_1094 = arith.addi %shift_right_arithmetic3A_1068, %add3A_1093 : vector<16xi32>
      %gather3A_1095 = tpu.vector_load_idx %arg5[%add3A_1088, %and3A_1071] : memref<512x128xf32, #tpu.memory_space<vmem>>[vector<16xi32>, vector<16xi32>], vector<16xf32>,
      %gather3A_1096 = tpu.vector_load_idx %arg5[%add3A_1091, %and3A_1074] : memref<512x128xf32, #tpu.memory_space<vmem>>[vector<16xi32>, vector<16xi32>], vector<16xf32>,
      %gather3A_1097 = tpu.vector_load_idx %arg5[%add3A_1094, %and3A_1077] : memref<512x128xf32, #tpu.memory_space<vmem>>[vector<16xi32>, vector<16xi32>], vector<16xf32>,
      %sub3A_1098 = arith.subf %gather3A_1096, %gather3A_1097 : vector<16xf32>
      %add3A_1099 = arith.addf %gather3A_1096, %gather3A_1097 : vector<16xf32>
      %sub3A_1100 = arith.subf %add3A_1099, %gather3A_1095 : vector<16xf32>
      %sub3A_1101 = arith.subf %sub3A_1100, %gather3A_1095 : vector<16xf32>
      %mul3A_1102 = arith.mulf %sub3A_1098, %sub3A_1101 : vector<16xf32>
      %add3A_1103 = arith.addf %mul3A_1085, %mul3A_1102 : vector<16xf32>
      %add3A_1104 = arith.constant 256 : i32
      %add3A_1105 = vector.broadcast %add3A_1104 : i32 to vector<16xi32>
      %add3A_1106 = arith.addi %shift_right_arithmetic3A_1062, %add3A_1105 : vector<16xi32>
      %add3A_1107 = arith.constant 256 : i32
      %add3A_1108 = vector.broadcast %add3A_1107 : i32 to vector<16xi32>
      %add3A_1109 = arith.addi %shift_right_arithmetic3A_1065, %add3A_1108 : vector<16xi32>
      %add3A_1110 = arith.constant 256 : i32
      %add3A_1111 = vector.broadcast %add3A_1110 : i32 to vector<16xi32>
      %add3A_1112 = arith.addi %shift_right_arithmetic3A_1068, %add3A_1111 : vector<16xi32>
      %gather3A_1113 = tpu.vector_load_idx %arg5[%add3A_1106, %and3A_1071] : memref<512x128xf32, #tpu.memory_space<vmem>>[vector<16xi32>, vector<16xi32>], vector<16xf32>,
      %gather3A_1114 = tpu.vector_load_idx %arg5[%add3A_1109, %and3A_1074] : memref<512x128xf32, #tpu.memory_space<vmem>>[vector<16xi32>, vector<16xi32>], vector<16xf32>,
      %gather3A_1115 = tpu.vector_load_idx %arg5[%add3A_1112, %and3A_1077] : memref<512x128xf32, #tpu.memory_space<vmem>>[vector<16xi32>, vector<16xi32>], vector<16xf32>,
      %sub3A_1116 = arith.subf %gather3A_1114, %gather3A_1115 : vector<16xf32>
      %add3A_1117 = arith.addf %gather3A_1114, %gather3A_1115 : vector<16xf32>
      %sub3A_1118 = arith.subf %add3A_1117, %gather3A_1113 : vector<16xf32>
      %sub3A_1119 = arith.subf %sub3A_1118, %gather3A_1113 : vector<16xf32>
      %mul3A_1120 = arith.mulf %sub3A_1116, %sub3A_1119 : vector<16xf32>
      %add3A_1121 = arith.addf %add3A_1103, %mul3A_1120 : vector<16xf32>
      %add3A_1122 = arith.constant 384 : i32
      %add3A_1123 = vector.broadcast %add3A_1122 : i32 to vector<16xi32>
      %add3A_1124 = arith.addi %shift_right_arithmetic3A_1062, %add3A_1123 : vector<16xi32>
      %add3A_1125 = arith.constant 384 : i32
      %add3A_1126 = vector.broadcast %add3A_1125 : i32 to vector<16xi32>
      %add3A_1127 = arith.addi %shift_right_arithmetic3A_1065, %add3A_1126 : vector<16xi32>
      %add3A_1128 = arith.constant 384 : i32
      %add3A_1129 = vector.broadcast %add3A_1128 : i32 to vector<16xi32>
      %add3A_1130 = arith.addi %shift_right_arithmetic3A_1068, %add3A_1129 : vector<16xi32>
      %gather3A_1131 = tpu.vector_load_idx %arg5[%add3A_1124, %and3A_1071] : memref<512x128xf32, #tpu.memory_space<vmem>>[vector<16xi32>, vector<16xi32>], vector<16xf32>,
      %gather3A_1132 = tpu.vector_load_idx %arg5[%add3A_1127, %and3A_1074] : memref<512x128xf32, #tpu.memory_space<vmem>>[vector<16xi32>, vector<16xi32>], vector<16xf32>,
      %gather3A_1133 = tpu.vector_load_idx %arg5[%add3A_1130, %and3A_1077] : memref<512x128xf32, #tpu.memory_space<vmem>>[vector<16xi32>, vector<16xi32>], vector<16xf32>,
      %sub3A_1134 = arith.subf %gather3A_1132, %gather3A_1133 : vector<16xf32>
      %add3A_1135 = arith.addf %gather3A_1132, %gather3A_1133 : vector<16xf32>
      %sub3A_1136 = arith.subf %add3A_1135, %gather3A_1131 : vector<16xf32>
      %sub3A_1137 = arith.subf %sub3A_1136, %gather3A_1131 : vector<16xf32>
      %mul3A_1138 = arith.mulf %sub3A_1134, %sub3A_1137 : vector<16xf32>
      %add3A_1139 = arith.addf %add3A_1121, %mul3A_1138 : vector<16xf32>
      %swap3A_1140 = arith.index_cast %shift_right_arithmetic3A_1046 : i32 to index
      %swap3A_1141 = arith.index_cast %mul3A_1050 : i32 to index
      %swap3A_1142 = tpu.vector_load %arg11[%swap3A_1140, %swap3A_1141] {strides = array<i32>} : memref<64x128xf32, #tpu.memory_space<vmem>>, vector<16xf32>,
      tpu.vector_store %arg11[%swap3A_1140, %swap3A_1141], %add3A_1139 {strides = array<i32>} : memref<64x128xf32, #tpu.memory_space<vmem>>, vector<16xf32>,
    }
    %scan3A_547 = arith.constant 256 : i32
    %eq3A = arith.constant 0 : i32
    %eq3A_548 = arith.cmpi eq, %arg1, %eq3A : i32
    %convert_element_type3A = arith.extui %eq3A_548 : i1 to i32
    %cond3A = arith.constant 0 : i32
    %cond3A_549 = arith.cmpi ne, %convert_element_type3A, %cond3A : i32
    scf.if %cond3A_549 {
      "tpu.region"() ({
        %run_scoped3A = tpu.sem_alloc : memref<!tpu.dma_semaphore, #tpu.memory_space<semaphore_mem>>
        tpu.enqueue_dma source(%arg11 : memref<64x128xf32, #tpu.memory_space<vmem>>) target(%arg15 : memref<64x128xf32, #tpu.memory_space<vmem_shared>>) target_semaphore(%run_scoped3A : memref<!tpu.dma_semaphore, #tpu.memory_space<semaphore_mem>>)
        tpu.wait_dma2 semaphore(%run_scoped3A : memref<!tpu.dma_semaphore, #tpu.memory_space<semaphore_mem>>) src(%arg11 : memref<64x128xf32, #tpu.memory_space<vmem>>) dst(%arg15 : memref<64x128xf32, #tpu.memory_space<vmem_shared>>)
        tpu.yield
      }) : () -> ()
    } else {
    }
    %barrier3A = arith.constant 0 : index
    tpu.barrier barrier_id(%barrier3A)
    %ne3A = arith.constant 0 : i32
    %ne3A_550 = arith.cmpi ne, %arg1, %ne3A : i32
    %convert_element_type3A_551 = arith.extui %ne3A_550 : i1 to i32
    %cond3A_552 = arith.constant 0 : i32
    %cond3A_553 = arith.cmpi ne, %convert_element_type3A_551, %cond3A_552 : i32
    scf.if %cond3A_553 {
      "tpu.region"() ({
        %run_scoped3A = tpu.sem_alloc : memref<!tpu.dma_semaphore, #tpu.memory_space<semaphore_mem>>
        %dma_start3A_939 = arith.constant 0 : i32
        %dma_start3A_940 = arith.constant 0 : i32
        %dma_start3A_941 = tpu.memref_slice %arg15[%dma_start3A_939, %dma_start3A_940] : memref<64x128xf32, #tpu.memory_space<vmem_shared>> -> memref<64x128xf32, #tpu.memory_space<vmem_shared>>
        tpu.enqueue_indirect_dma source(%arg11 : memref<64x128xf32, #tpu.memory_space<vmem>>) target(%dma_start3A_941 : memref<64x128xf32, #tpu.memory_space<vmem_shared>>) offsets(%arg12 : memref<64xi32, #tpu.memory_space<vmem>>) semaphore(%run_scoped3A : memref<!tpu.dma_semaphore, #tpu.memory_space<semaphore_mem>>) {add = true}
        %dma_wait3A_942 = arith.constant 0 : i32
        %dma_wait3A_943 = arith.constant 0 : i32
        %dma_wait3A_944 = tpu.memref_slice %arg15[%dma_wait3A_942, %dma_wait3A_943] : memref<64x128xf32, #tpu.memory_space<vmem_shared>> -> memref<64x128xf32, #tpu.memory_space<vmem_shared>>
        tpu.wait_indirect_dma semaphore(%run_scoped3A : memref<!tpu.dma_semaphore, #tpu.memory_space<semaphore_mem>>) src(%arg11 : memref<64x128xf32, #tpu.memory_space<vmem>>) dst(%dma_wait3A_944 : memref<64x128xf32, #tpu.memory_space<vmem_shared>>)
        tpu.yield
      }) : () -> ()
    } else {
    }
    %barrier3A_554 = arith.constant 0 : index
    tpu.barrier barrier_id(%barrier3A_554)
    %mul3A_555 = arith.constant 4 : i32
    %mul3A_556 = arith.muli %arg1, %mul3A_555 : i32
    "tpu.region"() ({
      %run_scoped3A = tpu.sem_alloc : memref<!tpu.dma_semaphore, #tpu.memory_space<semaphore_mem>>
      %dma_start3A_939 = arith.constant 0 : i32
      %dma_start3A_940 = tpu.memref_slice %arg15[%mul3A_556, %dma_start3A_939] : memref<64x128xf32, #tpu.memory_space<vmem_shared>> -> memref<4x128xf32, #tpu.memory_space<vmem_shared>>
      %dma_start3A_941 = arith.constant 0 : i32
      %dma_start3A_942 = tpu.memref_slice %arg15[%mul3A_556, %dma_start3A_941] : memref<64x128xf32, #tpu.memory_space<vmem_shared>> -> memref<4x128xf32, #tpu.memory_space<vmem_shared>>
      tpu.enqueue_dma source(%dma_start3A_942 : memref<4x128xf32, #tpu.memory_space<vmem_shared>>) target(%arg13 : memref<4x128xf32, #tpu.memory_space<vmem>>) target_semaphore(%run_scoped3A : memref<!tpu.dma_semaphore, #tpu.memory_space<semaphore_mem>>)
      %dma_wait3A_943 = arith.constant 0 : i32
      %dma_wait3A_944 = tpu.memref_slice %arg15[%mul3A_556, %dma_wait3A_943] : memref<64x128xf32, #tpu.memory_space<vmem_shared>> -> memref<4x128xf32, #tpu.memory_space<vmem_shared>>
      %dma_wait3A_945 = arith.constant 0 : i32
      %dma_wait3A_946 = tpu.memref_slice %arg15[%mul3A_556, %dma_wait3A_945] : memref<64x128xf32, #tpu.memory_space<vmem_shared>> -> memref<4x128xf32, #tpu.memory_space<vmem_shared>>
      tpu.wait_dma2 semaphore(%run_scoped3A : memref<!tpu.dma_semaphore, #tpu.memory_space<semaphore_mem>>) src(%dma_wait3A_946 : memref<4x128xf32, #tpu.memory_space<vmem_shared>>) dst(%arg13 : memref<4x128xf32, #tpu.memory_space<vmem>>)
      tpu.yield
    }) : () -> ()
    %xor3A = arith.constant 1 : i32
    %xor3A_557 = vector.broadcast %xor3A : i32 to vector<16xi32>
    %xor3A_558 = arith.xori %iota3A, %xor3A_557 : vector<16xi32>
    %broadcast_in_dim3A = vector.shape_cast %xor3A_558 : vector<16xi32> to vector<16x1xi32>
    %xor3A_559 = arith.constant 2 : i32
    %xor3A_560 = vector.broadcast %xor3A_559 : i32 to vector<16xi32>
    %xor3A_561 = arith.xori %iota3A, %xor3A_560 : vector<16xi32>
    %broadcast_in_dim3A_562 = vector.shape_cast %xor3A_561 : vector<16xi32> to vector<16x1xi32>
    %xor3A_563 = arith.constant 4 : i32
    %xor3A_564 = vector.broadcast %xor3A_563 : i32 to vector<16xi32>
    %xor3A_565 = arith.xori %iota3A, %xor3A_564 : vector<16xi32>
    %broadcast_in_dim3A_566 = vector.shape_cast %xor3A_565 : vector<16xi32> to vector<16x1xi32>
    %xor3A_567 = arith.constant 8 : i32
    %xor3A_568 = vector.broadcast %xor3A_567 : i32 to vector<16xi32>
    %xor3A_569 = arith.xori %iota3A, %xor3A_568 : vector<16xi32>
    %broadcast_in_dim3A_570 = vector.shape_cast %xor3A_569 : vector<16xi32> to vector<16x1xi32>
    %broadcast_in_dim3A_571 = arith.constant 0.000000e+00 : f32
    %broadcast_in_dim3A_572 = vector.broadcast %broadcast_in_dim3A_571 : f32 to vector<16xf32>
    %get3A = arith.constant 0 : i32
    %get3A_573 = arith.index_cast %get3A : i32 to index
    %get3A_574 = arith.constant 0 : index
    %get3A_575 = tpu.vector_load %arg13[%get3A_573, %get3A_574] {strides = array<i32>} : memref<4x128xf32, #tpu.memory_space<vmem>>, vector<16xf32>,
    %add3A_576 = arith.constant 1.000000e+00 : f32
    %add3A_577 = vector.broadcast %add3A_576 : f32 to vector<16xf32>
    %add3A_578 = arith.addf %get3A_575, %add3A_577 : vector<16xf32>
    %max3A = arith.constant 0.000000e+00 : f32
    %max3A_579 = vector.broadcast %max3A : f32 to vector<16xf32>
    %max3A_580 = arith.maximumf %add3A_578, %max3A_579 : vector<16xf32>
    %add3A_581 = arith.addf %broadcast_in_dim3A_572, %max3A_580 : vector<16xf32>
    %get3A_582 = arith.constant 0 : i32
    %get3A_583 = arith.index_cast %get3A_582 : i32 to index
    %get3A_584 = arith.constant 16 : index
    %get3A_585 = tpu.vector_load %arg13[%get3A_583, %get3A_584] {strides = array<i32>} : memref<4x128xf32, #tpu.memory_space<vmem>>, vector<16xf32>,
    %add3A_586 = arith.constant 1.000000e+00 : f32
    %add3A_587 = vector.broadcast %add3A_586 : f32 to vector<16xf32>
    %add3A_588 = arith.addf %get3A_585, %add3A_587 : vector<16xf32>
    %max3A_589 = arith.constant 0.000000e+00 : f32
    %max3A_590 = vector.broadcast %max3A_589 : f32 to vector<16xf32>
    %max3A_591 = arith.maximumf %add3A_588, %max3A_590 : vector<16xf32>
    %add3A_592 = arith.addf %add3A_581, %max3A_591 : vector<16xf32>
    %get3A_593 = arith.constant 0 : i32
    %get3A_594 = arith.index_cast %get3A_593 : i32 to index
    %get3A_595 = arith.constant 32 : index
    %get3A_596 = tpu.vector_load %arg13[%get3A_594, %get3A_595] {strides = array<i32>} : memref<4x128xf32, #tpu.memory_space<vmem>>, vector<16xf32>,
    %add3A_597 = arith.constant 1.000000e+00 : f32
    %add3A_598 = vector.broadcast %add3A_597 : f32 to vector<16xf32>
    %add3A_599 = arith.addf %get3A_596, %add3A_598 : vector<16xf32>
    %max3A_600 = arith.constant 0.000000e+00 : f32
    %max3A_601 = vector.broadcast %max3A_600 : f32 to vector<16xf32>
    %max3A_602 = arith.maximumf %add3A_599, %max3A_601 : vector<16xf32>
    %add3A_603 = arith.addf %add3A_592, %max3A_602 : vector<16xf32>
    %get3A_604 = arith.constant 0 : i32
    %get3A_605 = arith.index_cast %get3A_604 : i32 to index
    %get3A_606 = arith.constant 48 : index
    %get3A_607 = tpu.vector_load %arg13[%get3A_605, %get3A_606] {strides = array<i32>} : memref<4x128xf32, #tpu.memory_space<vmem>>, vector<16xf32>,
    %add3A_608 = arith.constant 1.000000e+00 : f32
    %add3A_609 = vector.broadcast %add3A_608 : f32 to vector<16xf32>
    %add3A_610 = arith.addf %get3A_607, %add3A_609 : vector<16xf32>
    %max3A_611 = arith.constant 0.000000e+00 : f32
    %max3A_612 = vector.broadcast %max3A_611 : f32 to vector<16xf32>
    %max3A_613 = arith.maximumf %add3A_610, %max3A_612 : vector<16xf32>
    %add3A_614 = arith.addf %add3A_603, %max3A_613 : vector<16xf32>
    %get3A_615 = arith.constant 0 : i32
    %get3A_616 = arith.index_cast %get3A_615 : i32 to index
    %get3A_617 = arith.constant 64 : index
    %get3A_618 = tpu.vector_load %arg13[%get3A_616, %get3A_617] {strides = array<i32>} : memref<4x128xf32, #tpu.memory_space<vmem>>, vector<16xf32>,
    %add3A_619 = arith.constant 1.000000e+00 : f32
    %add3A_620 = vector.broadcast %add3A_619 : f32 to vector<16xf32>
    %add3A_621 = arith.addf %get3A_618, %add3A_620 : vector<16xf32>
    %max3A_622 = arith.constant 0.000000e+00 : f32
    %max3A_623 = vector.broadcast %max3A_622 : f32 to vector<16xf32>
    %max3A_624 = arith.maximumf %add3A_621, %max3A_623 : vector<16xf32>
    %add3A_625 = arith.addf %add3A_614, %max3A_624 : vector<16xf32>
    %get3A_626 = arith.constant 0 : i32
    %get3A_627 = arith.index_cast %get3A_626 : i32 to index
    %get3A_628 = arith.constant 80 : index
    %get3A_629 = tpu.vector_load %arg13[%get3A_627, %get3A_628] {strides = array<i32>} : memref<4x128xf32, #tpu.memory_space<vmem>>, vector<16xf32>,
    %add3A_630 = arith.constant 1.000000e+00 : f32
    %add3A_631 = vector.broadcast %add3A_630 : f32 to vector<16xf32>
    %add3A_632 = arith.addf %get3A_629, %add3A_631 : vector<16xf32>
    %max3A_633 = arith.constant 0.000000e+00 : f32
    %max3A_634 = vector.broadcast %max3A_633 : f32 to vector<16xf32>
    %max3A_635 = arith.maximumf %add3A_632, %max3A_634 : vector<16xf32>
    %add3A_636 = arith.addf %add3A_625, %max3A_635 : vector<16xf32>
    %get3A_637 = arith.constant 0 : i32
    %get3A_638 = arith.index_cast %get3A_637 : i32 to index
    %get3A_639 = arith.constant 96 : index
    %get3A_640 = tpu.vector_load %arg13[%get3A_638, %get3A_639] {strides = array<i32>} : memref<4x128xf32, #tpu.memory_space<vmem>>, vector<16xf32>,
    %add3A_641 = arith.constant 1.000000e+00 : f32
    %add3A_642 = vector.broadcast %add3A_641 : f32 to vector<16xf32>
    %add3A_643 = arith.addf %get3A_640, %add3A_642 : vector<16xf32>
    %max3A_644 = arith.constant 0.000000e+00 : f32
    %max3A_645 = vector.broadcast %max3A_644 : f32 to vector<16xf32>
    %max3A_646 = arith.maximumf %add3A_643, %max3A_645 : vector<16xf32>
    %add3A_647 = arith.addf %add3A_636, %max3A_646 : vector<16xf32>
    %get3A_648 = arith.constant 0 : i32
    %get3A_649 = arith.index_cast %get3A_648 : i32 to index
    %get3A_650 = arith.constant 112 : index
    %get3A_651 = tpu.vector_load %arg13[%get3A_649, %get3A_650] {strides = array<i32>} : memref<4x128xf32, #tpu.memory_space<vmem>>, vector<16xf32>,
    %add3A_652 = arith.constant 1.000000e+00 : f32
    %add3A_653 = vector.broadcast %add3A_652 : f32 to vector<16xf32>
    %add3A_654 = arith.addf %get3A_651, %add3A_653 : vector<16xf32>
    %max3A_655 = arith.constant 0.000000e+00 : f32
    %max3A_656 = vector.broadcast %max3A_655 : f32 to vector<16xf32>
    %max3A_657 = arith.maximumf %add3A_654, %max3A_656 : vector<16xf32>
    %add3A_658 = arith.addf %add3A_647, %max3A_657 : vector<16xf32>
    %get3A_659 = arith.constant 1 : i32
    %get3A_660 = arith.index_cast %get3A_659 : i32 to index
    %get3A_661 = arith.constant 0 : index
    %get3A_662 = tpu.vector_load %arg13[%get3A_660, %get3A_661] {strides = array<i32>} : memref<4x128xf32, #tpu.memory_space<vmem>>, vector<16xf32>,
    %add3A_663 = arith.constant 1.000000e+00 : f32
    %add3A_664 = vector.broadcast %add3A_663 : f32 to vector<16xf32>
    %add3A_665 = arith.addf %get3A_662, %add3A_664 : vector<16xf32>
    %max3A_666 = arith.constant 0.000000e+00 : f32
    %max3A_667 = vector.broadcast %max3A_666 : f32 to vector<16xf32>
    %max3A_668 = arith.maximumf %add3A_665, %max3A_667 : vector<16xf32>
    %add3A_669 = arith.addf %add3A_658, %max3A_668 : vector<16xf32>
    %get3A_670 = arith.constant 1 : i32
    %get3A_671 = arith.index_cast %get3A_670 : i32 to index
    %get3A_672 = arith.constant 16 : index
    %get3A_673 = tpu.vector_load %arg13[%get3A_671, %get3A_672] {strides = array<i32>} : memref<4x128xf32, #tpu.memory_space<vmem>>, vector<16xf32>,
    %add3A_674 = arith.constant 1.000000e+00 : f32
    %add3A_675 = vector.broadcast %add3A_674 : f32 to vector<16xf32>
    %add3A_676 = arith.addf %get3A_673, %add3A_675 : vector<16xf32>
    %max3A_677 = arith.constant 0.000000e+00 : f32
    %max3A_678 = vector.broadcast %max3A_677 : f32 to vector<16xf32>
    %max3A_679 = arith.maximumf %add3A_676, %max3A_678 : vector<16xf32>
    %add3A_680 = arith.addf %add3A_669, %max3A_679 : vector<16xf32>
    %get3A_681 = arith.constant 1 : i32
    %get3A_682 = arith.index_cast %get3A_681 : i32 to index
    %get3A_683 = arith.constant 32 : index
    %get3A_684 = tpu.vector_load %arg13[%get3A_682, %get3A_683] {strides = array<i32>} : memref<4x128xf32, #tpu.memory_space<vmem>>, vector<16xf32>,
    %add3A_685 = arith.constant 1.000000e+00 : f32
    %add3A_686 = vector.broadcast %add3A_685 : f32 to vector<16xf32>
    %add3A_687 = arith.addf %get3A_684, %add3A_686 : vector<16xf32>
    %max3A_688 = arith.constant 0.000000e+00 : f32
    %max3A_689 = vector.broadcast %max3A_688 : f32 to vector<16xf32>
    %max3A_690 = arith.maximumf %add3A_687, %max3A_689 : vector<16xf32>
    %add3A_691 = arith.addf %add3A_680, %max3A_690 : vector<16xf32>
    %get3A_692 = arith.constant 1 : i32
    %get3A_693 = arith.index_cast %get3A_692 : i32 to index
    %get3A_694 = arith.constant 48 : index
    %get3A_695 = tpu.vector_load %arg13[%get3A_693, %get3A_694] {strides = array<i32>} : memref<4x128xf32, #tpu.memory_space<vmem>>, vector<16xf32>,
    %add3A_696 = arith.constant 1.000000e+00 : f32
    %add3A_697 = vector.broadcast %add3A_696 : f32 to vector<16xf32>
    %add3A_698 = arith.addf %get3A_695, %add3A_697 : vector<16xf32>
    %max3A_699 = arith.constant 0.000000e+00 : f32
    %max3A_700 = vector.broadcast %max3A_699 : f32 to vector<16xf32>
    %max3A_701 = arith.maximumf %add3A_698, %max3A_700 : vector<16xf32>
    %add3A_702 = arith.addf %add3A_691, %max3A_701 : vector<16xf32>
    %get3A_703 = arith.constant 1 : i32
    %get3A_704 = arith.index_cast %get3A_703 : i32 to index
    %get3A_705 = arith.constant 64 : index
    %get3A_706 = tpu.vector_load %arg13[%get3A_704, %get3A_705] {strides = array<i32>} : memref<4x128xf32, #tpu.memory_space<vmem>>, vector<16xf32>,
    %add3A_707 = arith.constant 1.000000e+00 : f32
    %add3A_708 = vector.broadcast %add3A_707 : f32 to vector<16xf32>
    %add3A_709 = arith.addf %get3A_706, %add3A_708 : vector<16xf32>
    %max3A_710 = arith.constant 0.000000e+00 : f32
    %max3A_711 = vector.broadcast %max3A_710 : f32 to vector<16xf32>
    %max3A_712 = arith.maximumf %add3A_709, %max3A_711 : vector<16xf32>
    %add3A_713 = arith.addf %add3A_702, %max3A_712 : vector<16xf32>
    %get3A_714 = arith.constant 1 : i32
    %get3A_715 = arith.index_cast %get3A_714 : i32 to index
    %get3A_716 = arith.constant 80 : index
    %get3A_717 = tpu.vector_load %arg13[%get3A_715, %get3A_716] {strides = array<i32>} : memref<4x128xf32, #tpu.memory_space<vmem>>, vector<16xf32>,
    %add3A_718 = arith.constant 1.000000e+00 : f32
    %add3A_719 = vector.broadcast %add3A_718 : f32 to vector<16xf32>
    %add3A_720 = arith.addf %get3A_717, %add3A_719 : vector<16xf32>
    %max3A_721 = arith.constant 0.000000e+00 : f32
    %max3A_722 = vector.broadcast %max3A_721 : f32 to vector<16xf32>
    %max3A_723 = arith.maximumf %add3A_720, %max3A_722 : vector<16xf32>
    %add3A_724 = arith.addf %add3A_713, %max3A_723 : vector<16xf32>
    %get3A_725 = arith.constant 1 : i32
    %get3A_726 = arith.index_cast %get3A_725 : i32 to index
    %get3A_727 = arith.constant 96 : index
    %get3A_728 = tpu.vector_load %arg13[%get3A_726, %get3A_727] {strides = array<i32>} : memref<4x128xf32, #tpu.memory_space<vmem>>, vector<16xf32>,
    %add3A_729 = arith.constant 1.000000e+00 : f32
    %add3A_730 = vector.broadcast %add3A_729 : f32 to vector<16xf32>
    %add3A_731 = arith.addf %get3A_728, %add3A_730 : vector<16xf32>
    %max3A_732 = arith.constant 0.000000e+00 : f32
    %max3A_733 = vector.broadcast %max3A_732 : f32 to vector<16xf32>
    %max3A_734 = arith.maximumf %add3A_731, %max3A_733 : vector<16xf32>
    %add3A_735 = arith.addf %add3A_724, %max3A_734 : vector<16xf32>
    %get3A_736 = arith.constant 1 : i32
    %get3A_737 = arith.index_cast %get3A_736 : i32 to index
    %get3A_738 = arith.constant 112 : index
    %get3A_739 = tpu.vector_load %arg13[%get3A_737, %get3A_738] {strides = array<i32>} : memref<4x128xf32, #tpu.memory_space<vmem>>, vector<16xf32>,
    %add3A_740 = arith.constant 1.000000e+00 : f32
    %add3A_741 = vector.broadcast %add3A_740 : f32 to vector<16xf32>
    %add3A_742 = arith.addf %get3A_739, %add3A_741 : vector<16xf32>
    %max3A_743 = arith.constant 0.000000e+00 : f32
    %max3A_744 = vector.broadcast %max3A_743 : f32 to vector<16xf32>
    %max3A_745 = arith.maximumf %add3A_742, %max3A_744 : vector<16xf32>
    %add3A_746 = arith.addf %add3A_735, %max3A_745 : vector<16xf32>
    %get3A_747 = arith.constant 2 : i32
    %get3A_748 = arith.index_cast %get3A_747 : i32 to index
    %get3A_749 = arith.constant 0 : index
    %get3A_750 = tpu.vector_load %arg13[%get3A_748, %get3A_749] {strides = array<i32>} : memref<4x128xf32, #tpu.memory_space<vmem>>, vector<16xf32>,
    %add3A_751 = arith.constant 1.000000e+00 : f32
    %add3A_752 = vector.broadcast %add3A_751 : f32 to vector<16xf32>
    %add3A_753 = arith.addf %get3A_750, %add3A_752 : vector<16xf32>
    %max3A_754 = arith.constant 0.000000e+00 : f32
    %max3A_755 = vector.broadcast %max3A_754 : f32 to vector<16xf32>
    %max3A_756 = arith.maximumf %add3A_753, %max3A_755 : vector<16xf32>
    %add3A_757 = arith.addf %add3A_746, %max3A_756 : vector<16xf32>
    %get3A_758 = arith.constant 2 : i32
    %get3A_759 = arith.index_cast %get3A_758 : i32 to index
    %get3A_760 = arith.constant 16 : index
    %get3A_761 = tpu.vector_load %arg13[%get3A_759, %get3A_760] {strides = array<i32>} : memref<4x128xf32, #tpu.memory_space<vmem>>, vector<16xf32>,
    %add3A_762 = arith.constant 1.000000e+00 : f32
    %add3A_763 = vector.broadcast %add3A_762 : f32 to vector<16xf32>
    %add3A_764 = arith.addf %get3A_761, %add3A_763 : vector<16xf32>
    %max3A_765 = arith.constant 0.000000e+00 : f32
    %max3A_766 = vector.broadcast %max3A_765 : f32 to vector<16xf32>
    %max3A_767 = arith.maximumf %add3A_764, %max3A_766 : vector<16xf32>
    %add3A_768 = arith.addf %add3A_757, %max3A_767 : vector<16xf32>
    %get3A_769 = arith.constant 2 : i32
    %get3A_770 = arith.index_cast %get3A_769 : i32 to index
    %get3A_771 = arith.constant 32 : index
    %get3A_772 = tpu.vector_load %arg13[%get3A_770, %get3A_771] {strides = array<i32>} : memref<4x128xf32, #tpu.memory_space<vmem>>, vector<16xf32>,
    %add3A_773 = arith.constant 1.000000e+00 : f32
    %add3A_774 = vector.broadcast %add3A_773 : f32 to vector<16xf32>
    %add3A_775 = arith.addf %get3A_772, %add3A_774 : vector<16xf32>
    %max3A_776 = arith.constant 0.000000e+00 : f32
    %max3A_777 = vector.broadcast %max3A_776 : f32 to vector<16xf32>
    %max3A_778 = arith.maximumf %add3A_775, %max3A_777 : vector<16xf32>
    %add3A_779 = arith.addf %add3A_768, %max3A_778 : vector<16xf32>
    %get3A_780 = arith.constant 2 : i32
    %get3A_781 = arith.index_cast %get3A_780 : i32 to index
    %get3A_782 = arith.constant 48 : index
    %get3A_783 = tpu.vector_load %arg13[%get3A_781, %get3A_782] {strides = array<i32>} : memref<4x128xf32, #tpu.memory_space<vmem>>, vector<16xf32>,
    %add3A_784 = arith.constant 1.000000e+00 : f32
    %add3A_785 = vector.broadcast %add3A_784 : f32 to vector<16xf32>
    %add3A_786 = arith.addf %get3A_783, %add3A_785 : vector<16xf32>
    %max3A_787 = arith.constant 0.000000e+00 : f32
    %max3A_788 = vector.broadcast %max3A_787 : f32 to vector<16xf32>
    %max3A_789 = arith.maximumf %add3A_786, %max3A_788 : vector<16xf32>
    %add3A_790 = arith.addf %add3A_779, %max3A_789 : vector<16xf32>
    %get3A_791 = arith.constant 2 : i32
    %get3A_792 = arith.index_cast %get3A_791 : i32 to index
    %get3A_793 = arith.constant 64 : index
    %get3A_794 = tpu.vector_load %arg13[%get3A_792, %get3A_793] {strides = array<i32>} : memref<4x128xf32, #tpu.memory_space<vmem>>, vector<16xf32>,
    %add3A_795 = arith.constant 1.000000e+00 : f32
    %add3A_796 = vector.broadcast %add3A_795 : f32 to vector<16xf32>
    %add3A_797 = arith.addf %get3A_794, %add3A_796 : vector<16xf32>
    %max3A_798 = arith.constant 0.000000e+00 : f32
    %max3A_799 = vector.broadcast %max3A_798 : f32 to vector<16xf32>
    %max3A_800 = arith.maximumf %add3A_797, %max3A_799 : vector<16xf32>
    %add3A_801 = arith.addf %add3A_790, %max3A_800 : vector<16xf32>
    %get3A_802 = arith.constant 2 : i32
    %get3A_803 = arith.index_cast %get3A_802 : i32 to index
    %get3A_804 = arith.constant 80 : index
    %get3A_805 = tpu.vector_load %arg13[%get3A_803, %get3A_804] {strides = array<i32>} : memref<4x128xf32, #tpu.memory_space<vmem>>, vector<16xf32>,
    %add3A_806 = arith.constant 1.000000e+00 : f32
    %add3A_807 = vector.broadcast %add3A_806 : f32 to vector<16xf32>
    %add3A_808 = arith.addf %get3A_805, %add3A_807 : vector<16xf32>
    %max3A_809 = arith.constant 0.000000e+00 : f32
    %max3A_810 = vector.broadcast %max3A_809 : f32 to vector<16xf32>
    %max3A_811 = arith.maximumf %add3A_808, %max3A_810 : vector<16xf32>
    %add3A_812 = arith.addf %add3A_801, %max3A_811 : vector<16xf32>
    %get3A_813 = arith.constant 2 : i32
    %get3A_814 = arith.index_cast %get3A_813 : i32 to index
    %get3A_815 = arith.constant 96 : index
    %get3A_816 = tpu.vector_load %arg13[%get3A_814, %get3A_815] {strides = array<i32>} : memref<4x128xf32, #tpu.memory_space<vmem>>, vector<16xf32>,
    %add3A_817 = arith.constant 1.000000e+00 : f32
    %add3A_818 = vector.broadcast %add3A_817 : f32 to vector<16xf32>
    %add3A_819 = arith.addf %get3A_816, %add3A_818 : vector<16xf32>
    %max3A_820 = arith.constant 0.000000e+00 : f32
    %max3A_821 = vector.broadcast %max3A_820 : f32 to vector<16xf32>
    %max3A_822 = arith.maximumf %add3A_819, %max3A_821 : vector<16xf32>
    %add3A_823 = arith.addf %add3A_812, %max3A_822 : vector<16xf32>
    %get3A_824 = arith.constant 2 : i32
    %get3A_825 = arith.index_cast %get3A_824 : i32 to index
    %get3A_826 = arith.constant 112 : index
    %get3A_827 = tpu.vector_load %arg13[%get3A_825, %get3A_826] {strides = array<i32>} : memref<4x128xf32, #tpu.memory_space<vmem>>, vector<16xf32>,
    %add3A_828 = arith.constant 1.000000e+00 : f32
    %add3A_829 = vector.broadcast %add3A_828 : f32 to vector<16xf32>
    %add3A_830 = arith.addf %get3A_827, %add3A_829 : vector<16xf32>
    %max3A_831 = arith.constant 0.000000e+00 : f32
    %max3A_832 = vector.broadcast %max3A_831 : f32 to vector<16xf32>
    %max3A_833 = arith.maximumf %add3A_830, %max3A_832 : vector<16xf32>
    %add3A_834 = arith.addf %add3A_823, %max3A_833 : vector<16xf32>
    %get3A_835 = arith.constant 3 : i32
    %get3A_836 = arith.index_cast %get3A_835 : i32 to index
    %get3A_837 = arith.constant 0 : index
    %get3A_838 = tpu.vector_load %arg13[%get3A_836, %get3A_837] {strides = array<i32>} : memref<4x128xf32, #tpu.memory_space<vmem>>, vector<16xf32>,
    %add3A_839 = arith.constant 1.000000e+00 : f32
    %add3A_840 = vector.broadcast %add3A_839 : f32 to vector<16xf32>
    %add3A_841 = arith.addf %get3A_838, %add3A_840 : vector<16xf32>
    %max3A_842 = arith.constant 0.000000e+00 : f32
    %max3A_843 = vector.broadcast %max3A_842 : f32 to vector<16xf32>
    %max3A_844 = arith.maximumf %add3A_841, %max3A_843 : vector<16xf32>
    %add3A_845 = arith.addf %add3A_834, %max3A_844 : vector<16xf32>
    %get3A_846 = arith.constant 3 : i32
    %get3A_847 = arith.index_cast %get3A_846 : i32 to index
    %get3A_848 = arith.constant 16 : index
    %get3A_849 = tpu.vector_load %arg13[%get3A_847, %get3A_848] {strides = array<i32>} : memref<4x128xf32, #tpu.memory_space<vmem>>, vector<16xf32>,
    %add3A_850 = arith.constant 1.000000e+00 : f32
    %add3A_851 = vector.broadcast %add3A_850 : f32 to vector<16xf32>
    %add3A_852 = arith.addf %get3A_849, %add3A_851 : vector<16xf32>
    %max3A_853 = arith.constant 0.000000e+00 : f32
    %max3A_854 = vector.broadcast %max3A_853 : f32 to vector<16xf32>
    %max3A_855 = arith.maximumf %add3A_852, %max3A_854 : vector<16xf32>
    %add3A_856 = arith.addf %add3A_845, %max3A_855 : vector<16xf32>
    %get3A_857 = arith.constant 3 : i32
    %get3A_858 = arith.index_cast %get3A_857 : i32 to index
    %get3A_859 = arith.constant 32 : index
    %get3A_860 = tpu.vector_load %arg13[%get3A_858, %get3A_859] {strides = array<i32>} : memref<4x128xf32, #tpu.memory_space<vmem>>, vector<16xf32>,
    %add3A_861 = arith.constant 1.000000e+00 : f32
    %add3A_862 = vector.broadcast %add3A_861 : f32 to vector<16xf32>
    %add3A_863 = arith.addf %get3A_860, %add3A_862 : vector<16xf32>
    %max3A_864 = arith.constant 0.000000e+00 : f32
    %max3A_865 = vector.broadcast %max3A_864 : f32 to vector<16xf32>
    %max3A_866 = arith.maximumf %add3A_863, %max3A_865 : vector<16xf32>
    %add3A_867 = arith.addf %add3A_856, %max3A_866 : vector<16xf32>
    %get3A_868 = arith.constant 3 : i32
    %get3A_869 = arith.index_cast %get3A_868 : i32 to index
    %get3A_870 = arith.constant 48 : index
    %get3A_871 = tpu.vector_load %arg13[%get3A_869, %get3A_870] {strides = array<i32>} : memref<4x128xf32, #tpu.memory_space<vmem>>, vector<16xf32>,
    %add3A_872 = arith.constant 1.000000e+00 : f32
    %add3A_873 = vector.broadcast %add3A_872 : f32 to vector<16xf32>
    %add3A_874 = arith.addf %get3A_871, %add3A_873 : vector<16xf32>
    %max3A_875 = arith.constant 0.000000e+00 : f32
    %max3A_876 = vector.broadcast %max3A_875 : f32 to vector<16xf32>
    %max3A_877 = arith.maximumf %add3A_874, %max3A_876 : vector<16xf32>
    %add3A_878 = arith.addf %add3A_867, %max3A_877 : vector<16xf32>
    %get3A_879 = arith.constant 3 : i32
    %get3A_880 = arith.index_cast %get3A_879 : i32 to index
    %get3A_881 = arith.constant 64 : index
    %get3A_882 = tpu.vector_load %arg13[%get3A_880, %get3A_881] {strides = array<i32>} : memref<4x128xf32, #tpu.memory_space<vmem>>, vector<16xf32>,
    %add3A_883 = arith.constant 1.000000e+00 : f32
    %add3A_884 = vector.broadcast %add3A_883 : f32 to vector<16xf32>
    %add3A_885 = arith.addf %get3A_882, %add3A_884 : vector<16xf32>
    %max3A_886 = arith.constant 0.000000e+00 : f32
    %max3A_887 = vector.broadcast %max3A_886 : f32 to vector<16xf32>
    %max3A_888 = arith.maximumf %add3A_885, %max3A_887 : vector<16xf32>
    %add3A_889 = arith.addf %add3A_878, %max3A_888 : vector<16xf32>
    %get3A_890 = arith.constant 3 : i32
    %get3A_891 = arith.index_cast %get3A_890 : i32 to index
    %get3A_892 = arith.constant 80 : index
    %get3A_893 = tpu.vector_load %arg13[%get3A_891, %get3A_892] {strides = array<i32>} : memref<4x128xf32, #tpu.memory_space<vmem>>, vector<16xf32>,
    %add3A_894 = arith.constant 1.000000e+00 : f32
    %add3A_895 = vector.broadcast %add3A_894 : f32 to vector<16xf32>
    %add3A_896 = arith.addf %get3A_893, %add3A_895 : vector<16xf32>
    %max3A_897 = arith.constant 0.000000e+00 : f32
    %max3A_898 = vector.broadcast %max3A_897 : f32 to vector<16xf32>
    %max3A_899 = arith.maximumf %add3A_896, %max3A_898 : vector<16xf32>
    %add3A_900 = arith.addf %add3A_889, %max3A_899 : vector<16xf32>
    %get3A_901 = arith.constant 3 : i32
    %get3A_902 = arith.index_cast %get3A_901 : i32 to index
    %get3A_903 = arith.constant 96 : index
    %get3A_904 = tpu.vector_load %arg13[%get3A_902, %get3A_903] {strides = array<i32>} : memref<4x128xf32, #tpu.memory_space<vmem>>, vector<16xf32>,
    %add3A_905 = arith.constant 1.000000e+00 : f32
    %add3A_906 = vector.broadcast %add3A_905 : f32 to vector<16xf32>
    %add3A_907 = arith.addf %get3A_904, %add3A_906 : vector<16xf32>
    %max3A_908 = arith.constant 0.000000e+00 : f32
    %max3A_909 = vector.broadcast %max3A_908 : f32 to vector<16xf32>
    %max3A_910 = arith.maximumf %add3A_907, %max3A_909 : vector<16xf32>
    %add3A_911 = arith.addf %add3A_900, %max3A_910 : vector<16xf32>
    %get3A_912 = arith.constant 3 : i32
    %get3A_913 = arith.index_cast %get3A_912 : i32 to index
    %get3A_914 = arith.constant 112 : index
    %get3A_915 = tpu.vector_load %arg13[%get3A_913, %get3A_914] {strides = array<i32>} : memref<4x128xf32, #tpu.memory_space<vmem>>, vector<16xf32>,
    %add3A_916 = arith.constant 1.000000e+00 : f32
    %add3A_917 = vector.broadcast %add3A_916 : f32 to vector<16xf32>
    %add3A_918 = arith.addf %get3A_915, %add3A_917 : vector<16xf32>
    %max3A_919 = arith.constant 0.000000e+00 : f32
    %max3A_920 = vector.broadcast %max3A_919 : f32 to vector<16xf32>
    %max3A_921 = arith.maximumf %add3A_918, %max3A_920 : vector<16xf32>
    %add3A_922 = arith.addf %add3A_911, %max3A_921 : vector<16xf32>
    %gather3A = vector.shape_cast %broadcast_in_dim3A_570 : vector<16x1xi32> to vector<16xi32>
    %gather3A_923 = tpu.dynamic_gather %add3A_922[%gather3A] in [0] : vector<16xf32>, vector<16xi32> -> vector<16xf32>
    %add3A_924 = arith.addf %add3A_922, %gather3A_923 : vector<16xf32>
    %gather3A_925 = vector.shape_cast %broadcast_in_dim3A_566 : vector<16x1xi32> to vector<16xi32>
    %gather3A_926 = tpu.dynamic_gather %add3A_924[%gather3A_925] in [0] : vector<16xf32>, vector<16xi32> -> vector<16xf32>
    %add3A_927 = arith.addf %add3A_924, %gather3A_926 : vector<16xf32>
    %gather3A_928 = vector.shape_cast %broadcast_in_dim3A_562 : vector<16x1xi32> to vector<16xi32>
    %gather3A_929 = tpu.dynamic_gather %add3A_927[%gather3A_928] in [0] : vector<16xf32>, vector<16xi32> -> vector<16xf32>
    %add3A_930 = arith.addf %add3A_927, %gather3A_929 : vector<16xf32>
    %gather3A_931 = vector.shape_cast %broadcast_in_dim3A : vector<16x1xi32> to vector<16xi32>
    %gather3A_932 = tpu.dynamic_gather %add3A_930[%gather3A_931] in [0] : vector<16xf32>, vector<16xi32> -> vector<16xf32>
    %add3A_933 = arith.addf %add3A_930, %gather3A_932 : vector<16xf32>
    %swap3A_934 = arith.constant 0 : index
    %swap3A_935 = tpu.vector_load %arg14[%swap3A_934] {strides = array<i32>} : memref<16xf32, #tpu.memory_space<vmem>>, vector<16xf32>,
    tpu.vector_store %arg14[%swap3A_934], %add3A_933 {strides = array<i32>} : memref<16xf32, #tpu.memory_space<vmem>>, vector<16xf32>,
    %mul3A_936 = arith.constant 2 : i32
    %mul3A_937 = arith.muli %arg1, %mul3A_936 : i32
    %add3A_938 = arith.addi %mul3A_937, %arg0 : i32
    "tpu.region"() ({
      %run_scoped3A = tpu.sem_alloc : memref<!tpu.dma_semaphore, #tpu.memory_space<semaphore_mem>>
      %dma_start3A_939 = arith.constant 0 : i32
      %dma_start3A_940 = tpu.memref_slice %arg4[%add3A_938, %dma_start3A_939] : memref<32x16xf32, #tpu.memory_space<hbm>> -> memref<1x16xf32, #tpu.memory_space<hbm>>
      %dma_start3A_941 = tpu.memref_squeeze %dma_start3A_940 : memref<1x16xf32, #tpu.memory_space<hbm>> -> memref<16xf32, #tpu.memory_space<hbm>>
      %dma_start3A_942 = arith.constant 0 : i32
      %dma_start3A_943 = tpu.memref_slice %arg4[%add3A_938, %dma_start3A_942] : memref<32x16xf32, #tpu.memory_space<hbm>> -> memref<1x16xf32, #tpu.memory_space<hbm>>
      %dma_start3A_944 = tpu.memref_squeeze %dma_start3A_943 : memref<1x16xf32, #tpu.memory_space<hbm>> -> memref<16xf32, #tpu.memory_space<hbm>>
      tpu.enqueue_dma source(%arg14 : memref<16xf32, #tpu.memory_space<vmem>>) target(%dma_start3A_944 : memref<16xf32, #tpu.memory_space<hbm>>) target_semaphore(%run_scoped3A : memref<!tpu.dma_semaphore, #tpu.memory_space<semaphore_mem>>)
      %dma_wait3A_945 = arith.constant 0 : i32
      %dma_wait3A_946 = tpu.memref_slice %arg4[%add3A_938, %dma_wait3A_945] : memref<32x16xf32, #tpu.memory_space<hbm>> -> memref<1x16xf32, #tpu.memory_space<hbm>>
      %dma_wait3A_947 = tpu.memref_squeeze %dma_wait3A_946 : memref<1x16xf32, #tpu.memory_space<hbm>> -> memref<16xf32, #tpu.memory_space<hbm>>
      %dma_wait3A_948 = arith.constant 0 : i32
      %dma_wait3A_949 = tpu.memref_slice %arg4[%add3A_938, %dma_wait3A_948] : memref<32x16xf32, #tpu.memory_space<hbm>> -> memref<1x16xf32, #tpu.memory_space<hbm>>
      %dma_wait3A_950 = tpu.memref_squeeze %dma_wait3A_949 : memref<1x16xf32, #tpu.memory_space<hbm>> -> memref<16xf32, #tpu.memory_space<hbm>>
      tpu.wait_dma2 semaphore(%run_scoped3A : memref<!tpu.dma_semaphore, #tpu.memory_space<semaphore_mem>>) src(%arg14 : memref<16xf32, #tpu.memory_space<vmem>>) dst(%dma_wait3A_950 : memref<16xf32, #tpu.memory_space<hbm>>)
      tpu.yield
    }) : () -> ()
    return
  }
}

</mosaic_0001>

<sc_bundles>
// kernel: kernel.3.cloned.1.call-start
scs
__scs_entry_jumppad:
0x0: {  	(pc) =	sbr.rel $0x88, $3  }
0x1: {  	(tag) =	ssettag $0x0;
	lr =	simm.s32 $0x1  }
0x2: {  	[smem:$0x3F9F] =	sst lr;
	_ =	strace $0xD0000000  }
0x3: {  	_ = 	snop  }
0x4: {  	_ = 	snop  }
0x5: {  	_ = 	snop  }
0x6: {  	_ = 	snop  }
0x7: {  	_ = 	snop  }
__scs_overlays_trampoline_lowered:
0x8: {  	[smem:$0x3FAE] =	sst s0  }
0x9: {  	[smem:$0x3FAF] =	sst s1  }
0xa: {  	[smem:$0x3FB0] =	sst s2  }
0xb: {  	[smem:$0x3FB1] =	sst s3  }
0xc: {  	[smem:$0x3FB2] =	sst s4  }
0xd: {  	[smem:$0x3FB3] =	sst s5  }
0xe: {  	[smem:$0x3FB4] =	sst s6  }
0xf: {  	[smem:$0x3FB5] =	sst s7  }
0x10: {  	[smem:$0x3FB6] =	sst s8  }
0x11: {  	[smem:$0x3FB7] =	sst s9;
	s0 =	simm.s32 @!p0 $0x0  }
0x12: {  	s1 =	sld [smem:$0x3F9D];
	s0 =	simm.s32 @p0 $0x1  }
0x13: {  	[smem:$0x3FB8] =	sst s0;
	s0 =	simm.s32 @!p1 $0x0  }
0x14: {  	s2 =	sld [smem:$0x3F9C];
	s0 =	simm.s32 @p1 $0x1  }
0x15: {  	[smem:$0x3FB9] =	sst s0;
	s0 =	simm.s32 @!p2 $0x0  }
0x16: {  	s3 =	sld [smem:$0x3FDB];
	s0 =	simm.s32 @p2 $0x1  }
0x17: {  	s4 =	simm.s32 $0x1BF5;
	[smem:$0x3FBB] =	sst s0  }
0x18: {  	s0 =	sld [smem:$0x3F9E];
	_ =	swait.ge [sflag:s4], $0x0  }
0x19: {  	s7 =	sld [smem:$0x3F9F]  }
0x1a: {  	s8 =	sadd.s32 $0xFFFFE003, lr  }
0x1b: {  	s9 =	sadd.s32 $0xFFFFFEF7, lr;
	s5 =	simm.s32 $0xFFFFFFFF;
	p2 =	slt.u32 s8, $0xFFFFF086  }
0x1c: {  	p1 =	slt.u32 s9, $0xF7A;
	s5 =	simm.s32 @!p2 $0x0  }
0x1d: {  	s5 =	simm.s32 @p1 $0x1;
	p0 =	seq.s32 s7, s2  }
0x1e: {  	s7 =	smul.u32 @!p0 $0xF7A, s2;
	p2 =	seq.s32 @!p0 s5, $0x0  }
0x1f: {  	s9 =	smul.u32 $0xF7A, s1;
	s8 =	simm.s32 @!p0 $0x1BF5;
	p2 =	por !p2, p0  }
0x20: {  	[sflag:s8] =	ssyncset.s32 @!p0 $0xFFFFF086;
	s6 =	sadd.s32 @!p0 s3, s7;
	s7 =	simm.s32 @!p0 $0x108  }
0x21: {  	s3 =	sadd.s32 s3, s9;
	s6 =	sadd.s32 @!p0 $0x88, s6;
	s7 =	simm.s32 @p2 $0x1082  }
0x22: {  	[simem:s7], [sflag:s8] =	dma.local @!p0 [hbm:s6], $0xF7A  }
0x23: {  	s9 =	sor.u32 $0xD0000000, s2;
	s6 =	simm.s32 $0x108;
	_ =	swait.ge @!p0 [sflag:s8], $0x0  }
0x24: {  	s3 =	sadd.s32 $0x88, s3;
	s6 =	simm.s32 @!p1 $0x1082;
	[sflag:s4] =	ssyncset.s32 $0xFFFFF086  }
0x25: {  	[simem:s6], [sflag:s4] =	dma.local [hbm:s3], $0xF7A  }
0x26: {  	[smem:$0x3F9F] =	sst s1;
	(tag) =	ssettag s2;
	_ =	strace s9  }
0x27: {  	s1 =	sld [smem:$0x3FAF]  }
0x28: {  	s2 =	sld [smem:$0x3FB0]  }
0x29: {  	s4 =	sld [smem:$0x3FB2]  }
0x2a: {  	p0 =	seq.s32 s5, $0x0;
	s5 =	sld [smem:$0x3FB3]  }
0x2b: {  	s6 =	sld [smem:$0x3FB4]  }
0x2c: {  	s7 =	sld [smem:$0x3FB5]  }
0x2d: {  	s3 =	simm.s32 $0x108;
	s8 =	sld [smem:$0x3FB6]  }
0x2e: {  	s3 =	simm.s32 @!p0 $0x1082;
	s9 =	sld [smem:$0x3FB7]  }
0x2f: {  	lr =	sadd.s32 s0, s3;
	s0 =	sld [smem:$0x3FAE]  }
0x30: {  	s3 =	sld [smem:$0x3FB1]  }
0x31: {  	[smem:$0x3FBA] =	sst s10  }
0x32: {  	s10 =	sld [smem:$0x3FB8];
	_ =	sdelay $0x3  }
0x33: {  	p0 =	seq.s32 s10, $0x1;
	s10 =	sld [smem:$0x3FBA];
	_ =	sdelay $0x3  }
0x34: {  	[smem:$0x3FBA] =	sst s10  }
0x35: {  	s10 =	sld [smem:$0x3FB9];
	_ =	sdelay $0x3  }
0x36: {  	p1 =	seq.s32 s10, $0x1;
	s10 =	sld [smem:$0x3FBA];
	_ =	sdelay $0x3  }
0x37: {  	[smem:$0x3FBA] =	sst s10  }
0x38: {  	s10 =	sld [smem:$0x3FBB]  }
0x39: {  	_ = 	snop;
	(pc) =	sbr.ind lr, $3  }
0x3a: {  	_ = 	snop  }
0x3b: {  	_ = 	snop  }
0x3c: {  	p2 =	seq.s32 s10, $0x1;
	s10 =	sld [smem:$0x3FBA]  }
0x3d: {  	_ =	shalt  }
0x3e: {  	_ =	shalt  }
0x3f: {  	_ =	shalt  }
0x40: {  	_ =	shalt  }
0x41: {  	_ =	shalt  }
0x42: {  	_ =	shalt  }
0x43: {  	_ =	shalt  }
0x44: {  	_ =	shalt  }
0x45: {  	_ =	shalt  }
0x46: {  	_ =	shalt  }
0x47: {  	_ =	shalt  }
0x48: {  	_ =	shalt  }
0x49: {  	_ =	shalt  }
0x4a: {  	_ =	shalt  }
0x4b: {  	_ =	shalt  }
0x4c: {  	_ =	shalt  }
0x4d: {  	_ =	shalt  }
0x4e: {  	_ =	shalt  }
0x4f: {  	_ =	shalt  }
0x50: {  	_ =	shalt  }
0x51: {  	_ =	shalt  }
0x52: {  	_ =	shalt  }
0x53: {  	_ =	shalt  }
0x54: {  	_ =	shalt  }
0x55: {  	_ =	shalt  }
0x56: {  	_ =	shalt  }
0x57: {  	_ =	shalt  }
0x58: {  	_ =	shalt  }
0x59: {  	_ =	shalt  }
0x5a: {  	_ =	shalt  }
0x5b: {  	_ =	shalt  }
0x5c: {  	_ =	shalt  }
0x5d: {  	_ =	shalt  }
0x5e: {  	_ =	shalt  }
0x5f: {  	_ =	shalt  }
0x60: {  	_ =	shalt  }
0x61: {  	_ =	shalt  }
0x62: {  	_ =	shalt  }
0x63: {  	_ =	shalt  }
0x64: {  	_ =	shalt  }
0x65: {  	_ =	shalt  }
0x66: {  	_ =	shalt  }
0x67: {  	_ =	shalt  }
0x68: {  	_ =	shalt  }
0x69: {  	_ =	shalt  }
0x6a: {  	_ =	shalt  }
0x6b: {  	_ =	shalt  }
0x6c: {  	_ =	shalt  }
0x6d: {  	_ =	shalt  }
0x6e: {  	_ =	shalt  }
0x6f: {  	_ =	shalt  }
0x70: {  	_ =	shalt  }
0x71: {  	_ =	shalt  }
0x72: {  	_ =	shalt  }
0x73: {  	_ =	shalt  }
0x74: {  	_ =	shalt  }
0x75: {  	_ =	shalt  }
0x76: {  	_ =	shalt  }
0x77: {  	_ =	shalt  }
0x78: {  	_ =	shalt  }
0x79: {  	_ =	shalt  }
0x7a: {  	_ =	shalt  }
0x7b: {  	_ =	shalt  }
0x7c: {  	_ =	shalt  }
0x7d: {  	_ =	shalt  }
0x7e: {  	_ =	shalt  }
0x7f: {  	_ =	shalt  }
0x80: {  	_ =	shalt  }
0x81: {  	_ =	shalt  }
0x82: {  	_ =	shalt  }
0x83: {  	_ =	shalt  }
0x84: {  	_ =	shalt  }
0x85: {  	_ =	shalt  }
0x86: {  	_ =	shalt  }
0x87: {  	_ =	shalt  }
.Lfunc_end0:
.L_simem_size_0:
called_computation_lowered:
.L_overlay_start_0:
0x88: {  	s2 =	sld [smem:$0x3FD9]  }
0x89: {  	s3 =	sld [smem:$0x3FFE];
	_ =	sdelay $0x1  }
0x8a: {  	s1 =	srdreg.scid  }
0x8b: {  	s0 =	sand.u32 $0x1, s1  }
0x8c: {  	s17 =	sshll.u32 s0, $0xA;
	s2 =	sadd.s32 s3, s2  }
0x8d: {  	s2 =	sadd.s32 s2, s17  }
0x8e: {  	[smem:$0x3FC6] =	sst s2  }
0x8f: {  	_ = 	snop  }
0x90: {  	s2 =	sld [smem:$0x3FC9];
	(tm) =	ssettm $0x1  }
0x91: {  	s18 =	sld [smem:$0x3FFB];
	_ =	sdelay $0x3  }
0x92: {  	_ =	strace s18  }
0x93: {  	s3 =	sld [smem:$0x3FFC];
	_ =	sdelay $0x3  }
0x94: {  	_ =	strace s3  }
0x95: {  	s3 =	sld [smem:$0x3FFD];
	_ =	sdelay $0x3  }
0x96: {  	_ =	strace s3  }
0x97: {  	_ =	strace $0x8FFFFFFF  }
0x98: {  	s19 =	sld [smem:$0x3FDB];
	_ =	sdelay $0x1  }
0x99: {  	s4 =	simm.s32 $_scs_section_size  }
0x9a: {  	s5 =	simm.s32 $_size__tile_overlayer_lowered;
	s6 =	simm.s32 $_tile_overlayer_lowered  }
0x9b: {  	s22 =	simm.s32 $0x1BFF;
	s21 =	sshll.u32 s6, $0x1;
	s3 =	sadd.s32 s4, s19  }
0x9c: {  	s7 =	simm.s32 $0x0;
	s20 =	sshll.u32 s5, $0x1;
	s5 =	sadd.s32 s21, s3  }
0x9d: {  	[timem:s7], [sflag:s22] =	dma.local [hbm:s5], s20  }
0x9e: {  	_ =	swait.ge [sflag:s22], s20  }
0x9f: {  	s4 =	ssub.s32 $0x0, s20;
	[sflag:s22] =	ssyncset.done $0x0  }
0xa0: {  	[sflag:s22] =	ssyncadd.s32 s4;
	_ =	sdelay $0x1  }
0xa1: {  	s23 =	simm.s32 $0x1B8B  }
0xa2: {  	_ =	swait.ge [sflag:s23], $0x1  }
0xa3: {  	[sflag:s23] =	ssyncset.done $0x0  }
0xa4: {  	s25 =	simm.s32 $0x1B8E;
	s24 =	sld [smem:$0x3FFE];
	[sflag:s23] =	ssyncadd.s32 $0xFFFFFFFF  }
0xa5: {  	s26 =	simm.s32 $execute0_lowered;
	[smem:$0x3FD2] =	sst s25  }
0xa6: {  	s5 =	sshll.u32 s26, $0x1;
	_ =	strace $0x80000046;
	[dreg:$0x1] =	wrdreg $0xFFFFFFFF  }
0xa7: {  	s28 =	simm.s32 $_size_execute0_lowered;
	s3 =	sadd.s32 s3, s5;
	[dreg:$0x0] =	wrdreg $0x0  }
0xa8: {  	s5 =	sshll.u32 s28, $0x1;
	[dreg:$0x2] =	wrdreg s3  }
0xa9: {  	[dreg:$0x3] =	wrdreg s5  }
0xaa: {  	[dreg:$0x4] =	wrdreg $0xC0  }
0xab: {  	_ =	task [dreg:s7], $0x5FFFF  }
0xac: {  	[dreg:$0x1] =	wrdreg $0xFFFFFFFF  }
0xad: {  	[dreg:$0x0] =	wrdreg $0x60  }
0xae: {  	[dreg:$0x2] =	wrdreg s2  }
0xaf: {  	[dreg:$0x3] =	wrdreg s24  }
0xb0: {  	[dreg:$0x4] =	wrdreg $0x185100  }
0xb1: {  	[dreg:$0x5] =	wrdreg $0x9  }
0xb2: {  	_ =	task.clear_ibuf [dreg:s7], $0x6FFFF;
	_ =	strace $0x90000046  }
0xb3: {  	s29 =	simm.s32 $0x9;
	_ =	strace $0x80000048  }
0xb4: {  	_ =	swait.ge [sflag:s29], $0x1  }
0xb5: {  	[sflag:s29] =	ssyncadd.s32 $0xFFFFFFFF  }
0xb6: {  	_ =	strace $0x90000048  }
0xb7: {  	_ =	sfence  }
0xb8: {  	s30 =	sld [smem:$0x0];
	_ =	sdelay $0x2  }
0xb9: {  	s31 =	sshll.u32 s1, $0xD;
	s1 =	sshrl.u32 s1, $0x2  }
0xba: {  	s3 =	sand.u32 $0x4000, s31;
	s1 =	sadd.s32 s1, s30  }
0xbb: {  	s0 =	sor.u32 s3, s0;
	s1 =	sshll.u32 s1, $0x11  }
0xbc: {  	s0 =	sor.u32 s1, s0  }
0xbd: {  	s0 =	sadd.s32 $0x8F2B, s0  }
0xbe: {  	[sflag:s0] =	ssyncadd.remote.s32 $0x1  }
0xbf: {  	_ =	sfence.sel $0xFFFF  }
0xc0: {  	[dreg:$0x0] =	wrdreg $0xFFFFFFFF;
	(pc) =	sbr.abs _section_cstart, $3  }
0xc1: {  	[dreg:$0x1] =	wrdreg $0xFFFFFFFF  }
0xc2: {  	_ =	task.clear_ibuf [dreg:s7], $0x2FFFF;
	_ =	strace $0x9FFFFFFF  }
0xc3: {  	(tm) =	ssettm $0x7FFFFFFF  }
tec
execute0_lowered:
.L_overlay_start_1:
0x0: {  	(tag) =	ssettag $0x1  }
0x1: {  	s1 =	rddreg [dreg:$0x0]  }
0x2: {  	s2 =	rddreg [dreg:$0x1]  }
0x3: {  	s3 =	rddreg [dreg:$0x2];
	s4 =	srdreg.scid  }
0x4: {  	s0 =	rddreg [dreg:$0x3];
	s24 =	stileid.u32  }
0x5: {  	v35 =	vimm.s32 $0xFEDCBA98;
	v37 =	vimm.s32 $0x76543210;
	s28 =	simm.s32 $0x0;
	s6 =	sand.u32 $0x1, s4;
	s4 =	simm.s32 $0x0  }
0x6: {  	v63 =	vimm.s32 $0xBA98FEDC;
	v47 =	vimm.s32 $0x32107654;
	s5 =	sshll.u32 s24, $0x2;
	s11 =	sshll.u32 s24, $0x9;
	p0 =	sne.s32 s24, $0x0  }
0x7: {  	v0 =	vlaneseq.u32;
	v48 =	vimm.s32 $0xDCFE98BA;
	v49 =	vimm.s32 $0x54761032;
	s24 =	simm.s32 $0x18300;
	s7 =	sshll.u32 s6, $0x8;
	s31 =	sor.u32 s5, s11  }
0x8: {  	v50 =	vimm.s32 $0xEFCDAB89;
	v51 =	vimm.s32 $0x67452301;
	v12 =	vmul.u32 $0x4, v0;
	[smem:$0x7FF] =	sst s4;
	s11 =	sadd.s32 s11, s3;
	s8 =	sor.u32 $0x40, s7  }
0x9: {  	v44 =	vmul.u32 $0x8, v0;
	v39 =	vunpack.c.l.s4.s8 v35;
	v41 =	vunpack.c.l.s4.s8 v37;
	s9 =	sor.u32 $0x80, s7;
	s23 =	sor.u32 $0xC0, s7;
	s10 =	sor.u32 $0x1, s7  }
0xa: {  	v47 =	vunpack.c.l.s4.s8 v47;
	v48 =	vunpack.c.l.s4.s8 v48;
	v49 =	vunpack.c.l.s4.s8 v49;
	s12 =	sor.u32 $0x41, s7;
	s25 =	sor.u32 $0x81, s7;
	s26 =	sor.u32 $0xC1, s7  }
0xb: {  	v50 =	vunpack.c.l.s4.s8 v50;
	v1 =	vor.u32 s7, v12;
	s29 =	sor.u32 $0x2, s7;
	s30 =	sor.u32 $0x42, s7;
	s13 =	sor.u32 $0xC2, s7;
	v43 =	vunpack.c.0.s8.s32 v39  }
0xc: {  	v45 =	vunpack.c.0.s8.s32 v41;
	v61 =	vor.u32 s8, v12;
	v5 =	vor.u32 s10, v12;
	s10 =	sor.u32 $0x82, s7;
	s7 =	sand.u32 $0x1C04, s31;
	s8 =	simm.s32 $0x10240  }
0xd: {  	v62 =	vor.u32 s9, v12;
	v4 =	vor.u32 s23, v12;
	v6 =	vor.u32 s12, v12;
	s14 =	sor.u32 $0x80, s7;
	s15 =	sor.u32 $0x100, s7;
	s16 =	sor.u32 $0x180, s7  }
0xe: {  	v7 =	vor.u32 s25, v12;
	v8 =	vor.u32 s26, v12;
	v9 =	vor.u32 s29, v12;
	s17 =	sor.u32 $0x200, s7;
	s18 =	sor.u32 $0x280, s7;
	s19 =	sor.u32 $0x300, s7  }
0xf: {  	v10 =	vor.u32 s30, v12;
	v11 =	vor.u32 s10, v12;
	v12 =	vor.u32 s13, v12;
	s20 =	sor.u32 $0x380, s7;
	s21 =	sor.u32 $0x1, s7;
	s22 =	sor.u32 $0x81, s7  }
0x10: {  	[tilespmem:$0x1FFD0] =	vst v1;
	v13 =	vor.u32 s7, v44;
	s23 =	sor.u32 $0x101, s7;
	s25 =	sor.u32 $0x181, s7;
	s26 =	sor.u32 $0x201, s7;
	v46 =	vand.u32 $0xF, v43;
	v14 =	vor.u32 s14, v44  }
0x11: {  	[tilespmem:$0x1FFE0] =	vst v61;
	s29 =	sor.u32 $0x281, s7;
	s30 =	sor.u32 $0x301, s7;
	s31 =	sor.u32 $0x381, s7;
	v15 =	vor.u32 s15, v44;
	v16 =	vor.u32 s16, v44;
	v17 =	vor.u32 s17, v44  }
0x12: {  	[tilespmem:$0x1FFF0] =	vst v62;
	s10 =	sor.u32 $0x2, s7;
	s12 =	sor.u32 $0x82, s7;
	s13 =	sor.u32 $0x102, s7;
	v18 =	vor.u32 s18, v44;
	v19 =	vor.u32 s19, v44;
	v20 =	vor.u32 s20, v44  }
0x13: {  	v21 =	vor.u32 s21, v44;
	v22 =	vor.u32 s22, v44;
	v23 =	vor.u32 s23, v44;
	s14 =	sor.u32 $0x182, s7;
	s15 =	sor.u32 $0x202, s7;
	_ =	strace $0x80000047  }
0x14: {  	v24 =	vor.u32 s25, v44;
	v25 =	vor.u32 s26, v44;
	v26 =	vor.u32 s29, v44;
	s16 =	sor.u32 $0x282, s7;
	s17 =	sshll.u32 s6, $0x1;
	s18 =	sor.u32 $0x302, s7  }
0x15: {  	v27 =	vor.u32 s30, v44;
	v28 =	vor.u32 s31, v44;
	v29 =	vor.u32 s10, v44;
	s19 =	sor.u32 $0x382, s7;
	s20 =	sor.u32 $0x3, s7;
	s21 =	sor.u32 $0x83, s7  }
0x16: {  	v30 =	vor.u32 s12, v44;
	v31 =	vor.u32 s13, v44;
	s22 =	ssub.s32 $0x2, s6;
	s23 =	sor.u32 $0x103, s7;
	s25 =	sor.u32 $0x183, s7;
	v32 =	vor.u32 s14, v44  }
0x17: {  	s29 =	sor.u32 $0x203, s7;
	s30 =	sor.u32 $0x283, s7;
	s31 =	sor.u32 $0x303, s7;
	v33 =	vor.u32 s15, v44;
	v34 =	vor.u32 s16, v44;
	v35 =	vor.u32 s18, v44  }
0x18: {  	s7 =	sor.u32 $0x383, s7;
	s6 =	simm.s32 $0x10200;
	s10 =	simm.s32 $0x10280;
	v36 =	vor.u32 s19, v44;
	v37 =	vor.u32 s20, v44;
	v38 =	vor.u32 s21, v44  }
0x19: {  	s13 =	simm.s32 $0x40;
	s9 =	sadd.s32 s17, s2;
	s26 =	sshrl.u32 s22, $0x1;
	v39 =	vor.u32 s23, v44;
	v40 =	vor.u32 s25, v44;
	v41 =	vor.u32 s29, v44  }
0x1a: {  	v42 =	vor.u32 s30, v44;
	v43 =	vor.u32 s31, v44;
	v44 =	vor.u32 s7, v44;
	s7 =	simm.s32 $0x102C0;
	s14 =	simm.s32 $0x142C0;
	s15 =	simm.s32 $0x80  }
0x1b: {  	v51 =	vunpack.c.l.s4.s8 v51;
	v45 =	vcombine.low v46, v45;
	v46 =	vunpack.c.l.s4.s8 v63;
	s16 =	simm.s32 $0x10000;
	s17 =	simm.s32 $0x10080;
	s18 =	simm.s32 $0x4000  }
0x1c: {  	v47 =	vunpack.c.0.s8.s32 v47;
	v53 =	vunpack.c.0.s8.s32 v48;
	v49 =	vunpack.c.0.s8.s32 v49;
	s19 =	simm.s32 $0x10100;
	s20 =	simm.s32 $0x8000;
	s21 =	simm.s32 $0x10180  }
0x1d: {  	v54 =	vunpack.c.0.s8.s32 v50;
	v51 =	vunpack.c.0.s8.s32 v51;
	s23 =	simm.s32 $0x1;
	s25 =	simm.s32 $0x2;
	s5 =	sadd.s32 s5, s9;
	v52 =	vunpack.c.0.s8.s32 v46  }
0x1e: {  	v48 =	vor.u32 $0x20, v0;
	v50 =	vor.u32 $0x30, v0;
	v49 =	vcombine.low v49, v53;
	s12 =	ssub.s32 s22, s26;
	s9 =	simm.s32 $0x122C0;
	s22 =	simm.s32 $0xC000  }
0x1f: {  	v51 =	vcombine.low v51, v54;
	v46 =	vor.u32 $0x10, v0;
	s26 =	simm.s32 $0x18500;
	s5 =	sadd.s32 $0x2000, s5;
	s12 =	smax.u32 s12, $0x1;
	v47 =	vcombine.low v47, v52  }
.LBB2_1:
0x20: {  	[tilespmem:$0x10230] =	vst v4  }
0x21: {  	[tilespmem:$0x10240] =	vst v5  }
0x22: {  	[tilespmem:$0x10250] =	vst v6  }
0x23: {  	[tilespmem:$0x10260] =	vst v7  }
0x24: {  	v0 =	vld [tilespmem:$0x1FFD0];
	[tilespmem:$0x10270] =	vst v8  }
0x25: {  	v58 =	vld [tilespmem:$0x1FFE0];
	[tilespmem:$0x10280] =	vst v9  }
0x26: {  	v59 =	vld [tilespmem:$0x1FFF0];
	[tilespmem:$0x10290] =	vst v10  }
0x27: {  	[tilespmem:$0x102A0] =	vst v11  }
0x28: {  	[tilespmem:$0x102B0] =	vst v12  }
0x29: {  	[tilespmem:$0x10200] =	vst v0  }
0x2a: {  	[tilespmem:$0x10210] =	vst v58  }
0x2b: {  	[tilespmem:$0x10220] =	vst v59  }
0x2c: {  	[tilespmem:s7], [sflag:$0x1] =	stream.indirect.gather [hbm4b:s2+s13], $0x80, s6, s13, $0xb8;
	[tilespmem:$0x18710] =	vst v63  }
0x2d: {  	_ = 	snop  }
0x2e: {  	[tilespmem:s9], [sflag:$0x1] =	stream.indirect.gather [hbm4b:s2+s13], $0x80, s8, s13, $0xb8;
	[tilespmem:$0x18710] =	vst v63  }
0x2f: {  	_ = 	snop  }
0x30: {  	[tilespmem:s14], [sflag:$0x1] =	stream.indirect.gather [hbm4b:s2+s13], $0x80, s10, s13, $0xb8;
	[tilespmem:$0x18710] =	vst v63  }
0x31: {  	[tilespmem:$0x10000] =	vst v13  }
0x32: {  	[tilespmem:$0x10010] =	vst v14  }
0x33: {  	[tilespmem:$0x10020] =	vst v15  }
0x34: {  	[tilespmem:$0x10030] =	vst v16  }
0x35: {  	[tilespmem:$0x10040] =	vst v17  }
0x36: {  	[tilespmem:$0x10050] =	vst v18  }
0x37: {  	[tilespmem:$0x10060] =	vst v19  }
0x38: {  	[tilespmem:$0x10070] =	vst v20  }
0x39: {  	[tilespmem:$0x10080] =	vst v21  }
0x3a: {  	[tilespmem:$0x10090] =	vst v22  }
0x3b: {  	[tilespmem:$0x100A0] =	vst v23  }
0x3c: {  	[tilespmem:$0x100B0] =	vst v24  }
0x3d: {  	[tilespmem:$0x100C0] =	vst v25  }
0x3e: {  	[tilespmem:$0x100D0] =	vst v26  }
0x3f: {  	[tilespmem:$0x100E0] =	vst v27  }
0x40: {  	[tilespmem:$0x100F0] =	vst v28  }
0x41: {  	[tilespmem:$0x10100] =	vst v29  }
0x42: {  	[tilespmem:$0x10110] =	vst v30  }
0x43: {  	[tilespmem:$0x10120] =	vst v31  }
0x44: {  	[tilespmem:$0x10130] =	vst v32  }
0x45: {  	[tilespmem:$0x10140] =	vst v33  }
0x46: {  	[tilespmem:$0x10150] =	vst v34  }
0x47: {  	[tilespmem:$0x10160] =	vst v35  }
0x48: {  	[tilespmem:$0x10170] =	vst v36  }
0x49: {  	[tilespmem:$0x10180] =	vst v37  }
0x4a: {  	[tilespmem:$0x10190] =	vst v38  }
0x4b: {  	[tilespmem:$0x101A0] =	vst v39  }
0x4c: {  	[tilespmem:$0x101B0] =	vst v40  }
0x4d: {  	[tilespmem:$0x101C0] =	vst v41  }
0x4e: {  	[tilespmem:$0x101D0] =	vst v42  }
0x4f: {  	[tilespmem:$0x101E0] =	vst v43  }
0x50: {  	[tilespmem:$0x101F0] =	vst v44  }
0x51: {  	[tilespmem:s4], [sflag:$0x1] =	stream.indirect.gather [hbm4b:s1+s15], $0x80, s16, s15, $0xb8;
	[tilespmem:$0x18710] =	vst v63  }
0x52: {  	_ = 	snop  }
0x53: {  	[tilespmem:s18], [sflag:$0x1] =	stream.indirect.gather [hbm4b:s1+s15], $0x80, s17, s15, $0xb8;
	[tilespmem:$0x18710] =	vst v63  }
0x54: {  	_ = 	snop  }
0x55: {  	[tilespmem:s20], [sflag:$0x1] =	stream.indirect.gather [hbm4b:s1+s15], $0x80, s19, s15, $0xb8;
	[tilespmem:$0x18710] =	vst v63  }
0x56: {  	_ = 	snop  }
0x57: {  	v60 =	vlaneseq.u32;
	[tilespmem:s22], [sflag:$0x1] =	stream.indirect.gather [hbm4b:s1+s15], $0x80, s21, s15, $0xb8;
	[tilespmem:$0x18710] =	vst v63  }
0x58: {  	[tilespmem:$0x182C0] =	vst v60  }
0x59: {  	[tilespmem:$0x182D0] =	vst v46  }
0x5a: {  	[tilespmem:$0x182E0] =	vst v48  }
0x5b: {  	[tilespmem:$0x182F0] =	vst v50  }
0x5c: {  	_ =	swait.ge [sflag:s23], $0x2000  }
0x5d: {  	[sflag:s23] =	ssyncset.done $0x0  }
0x5e: {  	[sflag:s23] =	ssyncadd.s32 $0xFFFFE000  }
0x5f: {  	_ =	swait.ge [sflag:s23], $0x2000  }
0x60: {  	[sflag:s23] =	ssyncset.done $0x0  }
0x61: {  	[sflag:s23] =	ssyncadd.s32 $0xFFFFE000  }
0x62: {  	_ =	swait.ge [sflag:s23], $0x2000  }
0x63: {  	[sflag:s23] =	ssyncset.done $0x0  }
0x64: {  	[sflag:s23] =	ssyncadd.s32 $0xFFFFE000  }
0x65: {  	_ =	swait.ge [sflag:s23], $0x4000  }
0x66: {  	[sflag:s23] =	ssyncset.done $0x0  }
0x67: {  	[sflag:s23] =	ssyncadd.s32 $0xFFFFC000  }
0x68: {  	_ =	swait.ge [sflag:s23], $0x4000  }
0x69: {  	[sflag:s23] =	ssyncset.done $0x0  }
0x6a: {  	[sflag:s23] =	ssyncadd.s32 $0xFFFFC000  }
0x6b: {  	_ =	swait.ge [sflag:s23], $0x4000  }
0x6c: {  	[sflag:s23] =	ssyncset.done $0x0  }
0x6d: {  	[sflag:s23] =	ssyncadd.s32 $0xFFFFC000  }
0x6e: {  	_ =	swait.ge [sflag:s23], $0x4000  }
0x6f: {  	[sflag:s23] =	ssyncset.done $0x0  }
0x70: {  	s29 =	simm.s32 $0x0;
	[sflag:s23] =	ssyncadd.s32 $0xFFFFC000  }
0x71: {  	v52 =	vld [tilespmem:s29+$0x122C0]  }
0x72: {  	v53 =	vld [tilespmem:s29+$0x142C0]  }
0x73: {  	v54 =	vld [tilespmem:s29+$0x102C0];
	_ =	sdelay $0x3  }
0x74: {  	v55 =	vadd.s32 $0x4000, v52  }
0x75: {  	v56 =	vadd.s32 $0x8000, v53  }
0x76: {  	v57 =	vadd.s32 $0x4000, v53;
	v58 =	vld.idx.msk [tilespmem:v52+s4+$0x0], $0xffff  }
0x77: {  	v59 =	vadd.s32 $0x8000, v52;
	v60 =	vld.idx.msk [tilespmem:v53+s4+$0x0], $0xffff  }
0x78: {  	v61 =	vadd.s32 $0x8000, v54;
	v62 =	vld.idx.msk [tilespmem:v54+s4+$0x0], $0xffff  }
0x79: {  	v63 =	vadd.s32 $0x4000, v54;
	v55 =	vld.idx.msk [tilespmem:v55+s4+$0x0], $0xffff  }
0x7a: {  	v52 =	vadd.s32 $0xC000, v52;
	v56 =	vld.idx.msk [tilespmem:v56+s4+$0x0], $0xffff  }
0x7b: {  	v53 =	vadd.s32 $0xC000, v53;
	v57 =	vld.idx.msk [tilespmem:v57+s4+$0x0], $0xffff  }
0x7c: {  	v59 =	vld.idx.msk [tilespmem:v59+s4+$0x0], $0xffff  }
0x7d: {  	v54 =	vadd.s32 $0xC000, v54;
	v61 =	vld.idx.msk [tilespmem:v61+s4+$0x0], $0xffff  }
0x7e: {  	v63 =	vld.idx.msk [tilespmem:v63+s4+$0x0], $0xffff  }
0x7f: {  	v52 =	vld.idx.msk [tilespmem:v52+s4+$0x0], $0xffff  }
0x80: {  	v0 =	vadd.f32 v60, v58;
	v53 =	vld.idx.msk [tilespmem:v53+s4+$0x0], $0xffff  }
0x81: {  	v58 =	vsub.f32 v58, v60;
	v1 =	vadd.f32 v57, v55  }
0x82: {  	v54 =	vld.idx.msk [tilespmem:v54+s4+$0x0], $0xffff;
	v0 =	vsub.f32 v0, v62;
	v60 =	vadd.f32 v56, v59  }
0x83: {  	v55 =	vsub.f32 v55, v57;
	v1 =	vsub.f32 v1, v63  }
0x84: {  	v0 =	vsub.f32 v0, v62;
	v57 =	vsub.f32 v60, v61  }
0x85: {  	v60 =	vadd.f32 v53, v52;
	v1 =	vsub.f32 v1, v63  }
0x86: {  	v56 =	vsub.f32 v59, v56;
	v0 =	vmul.f32 v0, v58;
	v58 =	vld [tilespmem:s29+$0x102D0]  }
0x87: {  	v59 =	vld [tilespmem:s29+$0x142D0];
	v57 =	vsub.f32 v57, v61;
	v61 =	vsub.f32 v60, v54;
	v1 =	vmul.f32 v1, v55  }
0x88: {  	v52 =	vsub.f32 v52, v53;
	v53 =	vld [tilespmem:s29+$0x122D0]  }
0x89: {  	v62 =	vmul.f32 v57, v56;
	v54 =	vsub.f32 v61, v54;
	v0 =	vadd.f32 v1, v0;
	_ =	sdelay $0x1  }
0x8a: {  	v63 =	vmul.f32 v54, v52;
	v57 =	vadd.s32 $0x8000, v58;
	v0 =	vadd.f32 v62, v0  }
0x8b: {  	v60 =	vadd.s32 $0x8000, v59  }
0x8c: {  	v61 =	vadd.s32 $0x8000, v53;
	v0 =	vadd.f32 v63, v0  }
0x8d: {  	v62 =	vadd.s32 $0x4000, v59  }
0x8e: {  	[tilespmem:s29+$0x162C0] =	vst v0  }
0x8f: {  	v63 =	vadd.s32 $0x4000, v53;
	v0 =	vld.idx.msk [tilespmem:v57+s4+$0x0], $0xffff  }
0x90: {  	v54 =	vld.idx.msk [tilespmem:v60+s4+$0x0], $0xffff  }
0x91: {  	v56 =	vadd.s32 $0x4000, v58;
	v1 =	vld.idx.msk [tilespmem:v61+s4+$0x0], $0xffff  }
0x92: {  	v55 =	vld.idx.msk [tilespmem:v62+s4+$0x0], $0xffff  }
0x93: {  	v57 =	vld.idx.msk [tilespmem:v53+s4+$0x0], $0xffff;
	v61 =	vadd.s32 $0xC000, v59  }
0x94: {  	v60 =	vld.idx.msk [tilespmem:v63+s4+$0x0], $0xffff;
	v63 =	vadd.s32 $0xC000, v53  }
0x95: {  	v62 =	vld.idx.msk [tilespmem:v59+s4+$0x0], $0xffff  }
0x96: {  	v2 =	vadd.s32 $0xC000, v58;
	v52 =	vld.idx.msk [tilespmem:v56+s4+$0x0], $0xffff  }
0x97: {  	v56 =	vld.idx.msk [tilespmem:v58+s4+$0x0], $0xffff  }
0x98: {  	v58 =	vadd.f32 v54, v1;
	v53 =	vsub.f32 v1, v54;
	v54 =	vld.idx.msk [tilespmem:v61+s4+$0x0], $0xffff  }
0x99: {  	v3 =	vadd.f32 v55, v60;
	v59 =	vsub.f32 v60, v55;
	v55 =	vld.idx.msk [tilespmem:v63+s4+$0x0], $0xffff  }
0x9a: {  	v61 =	vadd.f32 v62, v57  }
0x9b: {  	v1 =	vsub.f32 v58, v0;
	v58 =	vsub.f32 v57, v62;
	v57 =	vld.idx.msk [tilespmem:v2+s4+$0x0], $0xffff  }
0x9c: {  	v62 =	vsub.f32 v3, v52  }
0x9d: {  	s30 =	simm.s32 $0x80;
	v61 =	vsub.f32 v61, v56;
	v60 =	vsub.f32 v1, v0  }
.LBB2_2:
0x9e: {  	p1 =	sne.s32 s30, $0x7F80;
	v0 =	vsub.f32 v62, v52;
	v1 =	vadd.f32 v54, v55;
	s31 =	smov.u32 s30;
	s30 =	sadd.s32 $0x80, s30  }
0x9f: {  	v2 =	vsub.f32 v61, v56  }
0xa0: {  	v0 =	vmul.f32 v0, v59;
	v1 =	vsub.f32 v1, v57  }
0xa1: {  	s31 =	sshra.s32 s31, $0x2;
	v2 =	vmul.f32 v2, v58  }
0xa2: {  	v52 =	vmul.f32 v60, v53;
	v53 =	vsub.f32 v55, v54;
	v3 =	vld [tilespmem:s31+$0x122C0];
	v1 =	vsub.f32 v1, v57  }
0xa3: {  	v54 =	vld [tilespmem:s31+$0x142C0];
	v0 =	vadd.f32 v0, v2  }
0xa4: {  	v2 =	vld [tilespmem:s31+$0x102C0];
	v1 =	vmul.f32 v1, v53  }
0xa5: {  	v0 =	vadd.f32 v52, v0;
	_ =	sdelay $0x1  }
0xa6: {  	v52 =	vadd.s32 $0x4000, v3;
	v53 =	vadd.s32 $0x8000, v3;
	v0 =	vadd.f32 v1, v0  }
0xa7: {  	v1 =	vadd.s32 $0x4000, v54;
	v55 =	vadd.s32 $0x8000, v54;
	v56 =	vadd.s32 $0xC000, v54  }
0xa8: {  	v59 =	vadd.s32 $0xC000, v3;
	v57 =	vadd.s32 $0x4000, v2;
	v58 =	vadd.s32 $0x8000, v2;
	[tilespmem:s29+$0x162D0] =	vst v0;
	s29 =	smov.u32 s31  }
0xa9: {  	v0 =	vld.idx.msk [tilespmem:v3+s4+$0x0], $0xffff;
	v3 =	vadd.s32 $0xC000, v2  }
0xaa: {  	v54 =	vld.idx.msk [tilespmem:v54+s4+$0x0], $0xffff  }
0xab: {  	v2 =	vld.idx.msk [tilespmem:v2+s4+$0x0], $0xffff  }
0xac: {  	v52 =	vld.idx.msk [tilespmem:v52+s4+$0x0], $0xffff  }
0xad: {  	v55 =	vld.idx.msk [tilespmem:v55+s4+$0x0], $0xffff  }
0xae: {  	v1 =	vld.idx.msk [tilespmem:v1+s4+$0x0], $0xffff  }
0xaf: {  	v53 =	vld.idx.msk [tilespmem:v53+s4+$0x0], $0xffff  }
0xb0: {  	v60 =	vsub.f32 v0, v54;
	v0 =	vadd.f32 v54, v0;
	v54 =	vld.idx.msk [tilespmem:v58+s4+$0x0], $0xffff  }
0xb1: {  	v57 =	vld.idx.msk [tilespmem:v57+s4+$0x0], $0xffff  }
0xb2: {  	v0 =	vsub.f32 v0, v2;
	v58 =	vld.idx.msk [tilespmem:v59+s4+$0x0], $0xffff  }
0xb3: {  	v56 =	vld.idx.msk [tilespmem:v56+s4+$0x0], $0xffff  }
0xb4: {  	v0 =	vsub.f32 v0, v2;
	v2 =	vsub.f32 v52, v1  }
0xb5: {  	v1 =	vadd.f32 v1, v52;
	v52 =	vadd.f32 v55, v53;
	v3 =	vld.idx.msk [tilespmem:v3+s4+$0x0], $0xffff  }
0xb6: {  	v53 =	vsub.f32 v53, v55  }
0xb7: {  	v0 =	vmul.f32 v0, v60;
	v1 =	vsub.f32 v1, v57;
	v52 =	vsub.f32 v52, v54;
	_ =	sdelay $0x1  }
0xb8: {  	v1 =	vsub.f32 v1, v57;
	v55 =	vadd.f32 v56, v58  }
0xb9: {  	v52 =	vsub.f32 v52, v54;
	v54 =	vld [tilespmem:s29+$0x102D0]  }
0xba: {  	v1 =	vmul.f32 v1, v2;
	v2 =	vsub.f32 v55, v3  }
0xbb: {  	v55 =	vsub.f32 v58, v56;
	v56 =	vld [tilespmem:s29+$0x142D0]  }
0xbc: {  	v0 =	vadd.f32 v1, v0;
	v1 =	vmul.f32 v52, v53;
	v2 =	vsub.f32 v2, v3;
	v3 =	vld [tilespmem:s29+$0x122D0];
	_ =	sdelay $0x1  }
0xbd: {  	v0 =	vadd.f32 v1, v0;
	v1 =	vmul.f32 v2, v55;
	v2 =	vadd.s32 $0x8000, v54  }
0xbe: {  	v52 =	vadd.s32 $0x4000, v54  }
0xbf: {  	v0 =	vadd.f32 v1, v0;
	v1 =	vadd.s32 $0x8000, v56  }
0xc0: {  	v53 =	vadd.s32 $0x8000, v3  }
0xc1: {  	[tilespmem:s29+$0x162C0] =	vst v0;
	v0 =	vadd.s32 $0x4000, v56  }
0xc2: {  	v2 =	vld.idx.msk [tilespmem:v2+s4+$0x0], $0xffff  }
0xc3: {  	v55 =	vadd.s32 $0x4000, v3;
	v52 =	vld.idx.msk [tilespmem:v52+s4+$0x0], $0xffff  }
0xc4: {  	v1 =	vld.idx.msk [tilespmem:v1+s4+$0x0], $0xffff  }
0xc5: {  	v57 =	vld.idx.msk [tilespmem:v53+s4+$0x0], $0xffff  }
0xc6: {  	v58 =	vadd.s32 $0xC000, v56;
	v0 =	vld.idx.msk [tilespmem:v0+s4+$0x0], $0xffff  }
0xc7: {  	v60 =	vld.idx.msk [tilespmem:v3+s4+$0x0], $0xffff;
	v3 =	vadd.s32 $0xC000, v3  }
0xc8: {  	v59 =	vld.idx.msk [tilespmem:v55+s4+$0x0], $0xffff  }
0xc9: {  	v62 =	vadd.s32 $0xC000, v54;
	v61 =	vld.idx.msk [tilespmem:v56+s4+$0x0], $0xffff  }
0xca: {  	v56 =	vld.idx.msk [tilespmem:v54+s4+$0x0], $0xffff  }
0xcb: {  	v53 =	vsub.f32 v57, v1;
	v1 =	vadd.f32 v1, v57;
	v54 =	vld.idx.msk [tilespmem:v58+s4+$0x0], $0xffff  }
0xcc: {  	v55 =	vld.idx.msk [tilespmem:v3+s4+$0x0], $0xffff  }
.Ltmp0:
0xcd: {  	v1 =	vsub.f32 v1, v2;
	(pc) =	sbr.rel @p1 .LBB2_2-.Ltmp0, $4  }
0xce: {  	v3 =	vadd.f32 v0, v59;
	v57 =	vld.idx.msk [tilespmem:v62+s4+$0x0], $0xffff  }
0xcf: {  	v59 =	vsub.f32 v59, v0;
	v63 =	vadd.f32 v61, v60  }
0xd0: {  	v58 =	vsub.f32 v60, v61;
	v62 =	vsub.f32 v3, v52  }
0xd1: {  	v60 =	vsub.f32 v1, v2;
	v61 =	vsub.f32 v63, v56  }
0xd2: {  	v0 =	vsub.f32 v62, v52  }
0xd3: {  	v1 =	vadd.f32 v54, v55;
	v2 =	vsub.f32 v61, v56;
	_ =	sdelay $0x1  }
0xd4: {  	v0 =	vmul.f32 v0, v59;
	v1 =	vsub.f32 v1, v57;
	v2 =	vmul.f32 v2, v58  }
0xd5: {  	v3 =	vsub.f32 v55, v54  }
0xd6: {  	v60 =	vmul.f32 v60, v53;
	v1 =	vsub.f32 v1, v57;
	v0 =	vadd.f32 v0, v2;
	_ =	sdelay $0x1  }
0xd7: {  	v1 =	vmul.f32 v1, v3;
	v0 =	vadd.f32 v60, v0;
	_ =	sdelay $0x1  }
0xd8: {  	v0 =	vadd.f32 v1, v0;
	_ =	sdelay $0x1  }
0xd9: {  	s30 =	simm.s32 @p0 $0x182C0;
	[tilespmem:s29+$0x162D0] =	vst v0  }
0xda: {  	s31 =	simm.s32 @p0 $0x162C0;
	s29 =	simm.s32 @p0 $0x40;
	[bflag:$0x0] =	sbarrier.arrive @p0 $0xFFFF  }
0xdb: {  	[spmem:s3] =	stream.indirect.scatter.add.f32 @p0 [tilespmem:s31], [sflag:$0x2], $0x80, s30, s29, $0xb8;
	[tilespmem:$0x18710] =	vst v63  }
0xdc: {  	s29 =	simm.s32 @p0 $0x2  }
0xdd: {  	_ =	swait.ge @p0 [sflag:s29], $0x2000  }
0xde: {  	[sflag:s29] =	ssyncset.done @p0 $0x0  }
0xdf: {  	[sflag:s29] =	ssyncadd.s32 @p0 $0xFFFFE000;
	s29 =	simm.s32 @!p0 $0x162C0  }
0xe0: {  	[spmem:s3] =	stream.linear.scatter @!p0 [tilespmem:s29], [sflag:$0x2], $0x2000, $0x38;
	[tilespmem:$0x18710] =	vst v63  }
0xe1: {  	s29 =	simm.s32 @!p0 $0x2  }
0xe2: {  	_ =	swait.ge @!p0 [sflag:s29], $0x2000  }
0xe3: {  	[sflag:s29] =	ssyncset.done @!p0 $0x0  }
0xe4: {  	[sflag:s29] =	ssyncadd.s32 @!p0 $0xFFFFE000  }
0xe5: {  	[bflag:$0x0] =	sbarrier.arrive @!p0 $0xFFFF  }
0xe6: {  	[bflag:$0x0] =	sbarrier.arrive $0xFFFF  }
0xe7: {  	[tilespmem:s24], [sflag:$0x2] =	stream.linear.gather [spmem:s11], $0x200, $0x38;
	[tilespmem:$0x18710] =	vst v63  }
0xe8: {  	_ =	swait.ge [sflag:s25], $0x200  }
0xe9: {  	[sflag:s25] =	ssyncset.done $0x0  }
0xea: {  	[sflag:s25] =	ssyncadd.s32 $0xFFFFFE00  }
0xeb: {  	v61 =	vld [tilespmem:$0x18300]  }
0xec: {  	v62 =	vld [tilespmem:$0x18310];
	_ =	sdelay $0x1  }
0xed: {  	v63 =	vld [tilespmem:$0x18320];
	_ =	sdelay $0x1  }
0xee: {  	v3 =	vld [tilespmem:$0x18330]  }
0xef: {  	v0 =	vadd.f32 $1.000000000e+00, v61;
	v1 =	vadd.f32 $1.000000000e+00, v62  }
0xf0: {  	v56 =	vld [tilespmem:$0x18340]  }
0xf1: {  	v2 =	vadd.f32 $1.000000000e+00, v63;
	v0 =	vmax.f32 v0, $0.0e+00;
	v1 =	vmax.f32 v1, $0.0e+00  }
0xf2: {  	v57 =	vld [tilespmem:$0x18350];
	v0 =	vadd.f32 v1, v0  }
0xf3: {  	v3 =	vadd.f32 $1.000000000e+00, v3;
	v2 =	vmax.f32 v2, $0.0e+00  }
0xf4: {  	v58 =	vld [tilespmem:$0x18360];
	v0 =	vadd.f32 v2, v0  }
0xf5: {  	v52 =	vadd.f32 $1.000000000e+00, v56;
	v3 =	vmax.f32 v3, $0.0e+00  }
0xf6: {  	v0 =	vadd.f32 v3, v0;
	v3 =	vld [tilespmem:$0x18370]  }
0xf7: {  	v52 =	vmax.f32 v52, $0.0e+00;
	v1 =	vadd.f32 $1.000000000e+00, v57  }
0xf8: {  	v59 =	vld [tilespmem:$0x18380];
	v0 =	vadd.f32 v52, v0  }
0xf9: {  	v1 =	vmax.f32 v1, $0.0e+00;
	v2 =	vadd.f32 $1.000000000e+00, v58  }
0xfa: {  	v60 =	vld [tilespmem:$0x18390];
	v0 =	vadd.f32 v1, v0  }
0xfb: {  	v2 =	vmax.f32 v2, $0.0e+00;
	v3 =	vadd.f32 $1.000000000e+00, v3  }
0xfc: {  	v61 =	vld [tilespmem:$0x183A0];
	v0 =	vadd.f32 v2, v0  }
0xfd: {  	v52 =	vadd.f32 $1.000000000e+00, v59;
	v3 =	vmax.f32 v3, $0.0e+00  }
0xfe: {  	v0 =	vadd.f32 v3, v0;
	v3 =	vld [tilespmem:$0x183B0]  }
0xff: {  	v52 =	vmax.f32 v52, $0.0e+00;
	v1 =	vadd.f32 $1.000000000e+00, v60  }
0x100: {  	v62 =	vld [tilespmem:$0x183C0];
	v0 =	vadd.f32 v52, v0  }
0x101: {  	v1 =	vmax.f32 v1, $0.0e+00;
	v2 =	vadd.f32 $1.000000000e+00, v61  }
0x102: {  	v63 =	vld [tilespmem:$0x183D0];
	v0 =	vadd.f32 v1, v0  }
0x103: {  	v2 =	vmax.f32 v2, $0.0e+00;
	v3 =	vadd.f32 $1.000000000e+00, v3  }
0x104: {  	v56 =	vld [tilespmem:$0x183E0];
	v0 =	vadd.f32 v2, v0  }
0x105: {  	v52 =	vadd.f32 $1.000000000e+00, v62;
	v3 =	vmax.f32 v3, $0.0e+00  }
0x106: {  	v0 =	vadd.f32 v3, v0;
	v3 =	vld [tilespmem:$0x183F0]  }
0x107: {  	v52 =	vmax.f32 v52, $0.0e+00;
	v1 =	vadd.f32 $1.000000000e+00, v63  }
0x108: {  	v57 =	vld [tilespmem:$0x18400];
	v0 =	vadd.f32 v52, v0  }
0x109: {  	v1 =	vmax.f32 v1, $0.0e+00;
	v2 =	vadd.f32 $1.000000000e+00, v56  }
0x10a: {  	v58 =	vld [tilespmem:$0x18410];
	v0 =	vadd.f32 v1, v0  }
0x10b: {  	v2 =	vmax.f32 v2, $0.0e+00;
	v3 =	vadd.f32 $1.000000000e+00, v3  }
0x10c: {  	v59 =	vld [tilespmem:$0x18420];
	v0 =	vadd.f32 v2, v0  }
0x10d: {  	v52 =	vadd.f32 $1.000000000e+00, v57;
	v3 =	vmax.f32 v3, $0.0e+00  }
0x10e: {  	v0 =	vadd.f32 v3, v0;
	v3 =	vld [tilespmem:$0x18430]  }
0x10f: {  	v52 =	vmax.f32 v52, $0.0e+00;
	v1 =	vadd.f32 $1.000000000e+00, v58  }
0x110: {  	v60 =	vld [tilespmem:$0x18440];
	v0 =	vadd.f32 v52, v0  }
0x111: {  	v1 =	vmax.f32 v1, $0.0e+00;
	v2 =	vadd.f32 $1.000000000e+00, v59  }
0x112: {  	v61 =	vld [tilespmem:$0x18450];
	v0 =	vadd.f32 v1, v0  }
0x113: {  	v2 =	vmax.f32 v2, $0.0e+00;
	v3 =	vadd.f32 $1.000000000e+00, v3  }
0x114: {  	v62 =	vld [tilespmem:$0x18460];
	v0 =	vadd.f32 v2, v0  }
0x115: {  	v52 =	vadd.f32 $1.000000000e+00, v60;
	v3 =	vmax.f32 v3, $0.0e+00  }
0x116: {  	v0 =	vadd.f32 v3, v0;
	v3 =	vld [tilespmem:$0x18470]  }
0x117: {  	v52 =	vmax.f32 v52, $0.0e+00;
	v1 =	vadd.f32 $1.000000000e+00, v61  }
0x118: {  	v63 =	vld [tilespmem:$0x18480];
	v0 =	vadd.f32 v52, v0  }
0x119: {  	v1 =	vmax.f32 v1, $0.0e+00;
	v2 =	vadd.f32 $1.000000000e+00, v62  }
0x11a: {  	v56 =	vld [tilespmem:$0x18490];
	v0 =	vadd.f32 v1, v0  }
0x11b: {  	v2 =	vmax.f32 v2, $0.0e+00;
	v3 =	vadd.f32 $1.000000000e+00, v3  }
0x11c: {  	v57 =	vld [tilespmem:$0x184A0];
	v0 =	vadd.f32 v2, v0  }
0x11d: {  	v52 =	vadd.f32 $1.000000000e+00, v63;
	v3 =	vmax.f32 v3, $0.0e+00  }
0x11e: {  	v0 =	vadd.f32 v3, v0;
	v3 =	vld [tilespmem:$0x184B0]  }
0x11f: {  	v52 =	vmax.f32 v52, $0.0e+00;
	v1 =	vadd.f32 $1.000000000e+00, v56  }
0x120: {  	v58 =	vld [tilespmem:$0x184C0];
	v0 =	vadd.f32 v52, v0  }
0x121: {  	v1 =	vmax.f32 v1, $0.0e+00;
	v2 =	vadd.f32 $1.000000000e+00, v57  }
0x122: {  	v59 =	vld [tilespmem:$0x184D0];
	v0 =	vadd.f32 v1, v0  }
0x123: {  	v2 =	vmax.f32 v2, $0.0e+00;
	v3 =	vadd.f32 $1.000000000e+00, v3  }
0x124: {  	v60 =	vld [tilespmem:$0x184E0];
	v0 =	vadd.f32 v2, v0  }
0x125: {  	v52 =	vadd.f32 $1.000000000e+00, v58;
	v3 =	vmax.f32 v3, $0.0e+00  }
0x126: {  	v0 =	vadd.f32 v3, v0;
	v3 =	vld [tilespmem:$0x184F0]  }
0x127: {  	v52 =	vmax.f32 v52, $0.0e+00;
	v1 =	vadd.f32 $1.000000000e+00, v59  }
0x128: {  	v0 =	vadd.f32 v52, v0  }
0x129: {  	v1 =	vmax.f32 v1, $0.0e+00;
	v2 =	vadd.f32 $1.000000000e+00, v60  }
0x12a: {  	v0 =	vadd.f32 v1, v0  }
0x12b: {  	v61 =	vmax.f32 v2, $0.0e+00;
	v62 =	vadd.f32 $1.000000000e+00, v3  }
0x12c: {  	v0 =	vadd.f32 v61, v0  }
0x12d: {  	v63 =	vmax.f32 v62, $0.0e+00  }
0x12e: {  	v0 =	vadd.f32 v63, v0;
	_ =	sdelay $0x1  }
0x12f: {  	v1 =	vperm.xlane v0, v45;
	_ =	sdelay $0x1  }
0x130: {  	v0 =	vadd.f32 v0, v1;
	_ =	sdelay $0x1  }
0x131: {  	v1 =	vperm.xlane v0, v47;
	_ =	sdelay $0x1  }
0x132: {  	v0 =	vadd.f32 v0, v1;
	_ =	sdelay $0x1  }
0x133: {  	v1 =	vperm.xlane v0, v49;
	_ =	sdelay $0x1  }
0x134: {  	v0 =	vadd.f32 v0, v1;
	_ =	sdelay $0x1  }
0x135: {  	v1 =	vperm.xlane v0, v51;
	_ =	sdelay $0x1  }
0x136: {  	s28 =	sadd.s32 $0x1, s28;
	v0 =	vadd.f32 v0, v1  }
0x137: {  	p1 =	sne.s32 s28, s12  }
.Ltmp1:
0x138: {  	[tilespmem:$0x18500] =	vst v0;
	(pc) =	sbr.rel @p1 .LBB2_1-.Ltmp1, $4  }
0x139: {  	[hbm4b:s5+s4] =	stream.linear.scatter [tilespmem:s26], [sflag:$0x2], $0x10, $0x38;
	[tilespmem:$0x18710] =	vst v63  }
0x13a: {  	_ =	swait.ge [sflag:s25], $0x10  }
0x13b: {  	[sflag:s25] =	ssyncset.done $0x0  }
0x13c: {  	[sflag:s25] =	ssyncadd.s32 $0xFFFFFFF0  }
0x13d: {  	_ =	sfence.sel $0x180000  }
0x13e: {  	[bflag:$0x0] =	sbarrier.arrive $0xFFFF  }
0x13f: {  	_ =	strace $0x90000047  }
0x140: {  	s0 =	sadd.s32 @!p0 $0x100000, s0;
	[bflag:$0x2] =	sbarrier.arrive $0xFFFF  }
0x141: {  	[sflag:s0] =	ssyncadd.tile.s32 @!p0 $0x1;
	_ =	shalt  }
.Lfunc_end2:
_tile_overlayer_lowered:
.L_overlay_start_2:
0x142: {  	(tag) =	ssettag $0x2  }
0x143: {  	s0 =	rddreg [dreg:$0x0];
	s2 =	stileid.u32  }
0x144: {  	s1 =	rddreg [dreg:$0x1];
	p0 =	sne.s32 s2, $0x0  }
0x145: {  	s3 =	rddreg [dreg:$0x2];
	[bflag:$0x3] =	sbarrier.arrive $0xFFFF;
	s2 =	simm.s32 @!p0 $0x1C02  }
0x146: {  	[timem:s3], [sflag:s2] =	dma.local @!p0 [hbm:s0], s1  }
0x147: {  	s0 =	simm.s32 @!p0 $0x2  }
0x148: {  	_ =	swait.ge @!p0 [sflag:s0], s1  }
0x149: {  	s1 =	ssub.s32 @!p0 $0x0, s1;
	[sflag:s0] =	ssyncset.done @!p0 $0x0  }
0x14a: {  	[sflag:s0] =	ssyncadd.s32 @!p0 s1  }
0x14b: {  	[bflag:$0x3] =	sbarrier.arrive $0xFFFF  }
0x14c: {  	_ =	shalt  }

</sc_bundles>
